<compile_context>
chip_gen: v7x
topology: tpu7x:2x2x1
jax: 0.10.2.dev20260603
libtpu: 0.0.44.dev20260713+nightly
codegen_flags: <defaults>
</compile_context>

<pallas_src>
import functools

import jax
import jax.numpy as jnp
from jax import lax
from jax.experimental import pallas as pl
from jax.experimental.pallas import tpu as pltpu
from jax.experimental.pallas import tpu_sc as plsc

B = 16384
D = 128
F = 256

_info = plsc.get_sparse_core_info()
_NC, _NS = _info.num_cores, _info.num_subcores
_NW = _NC * _NS
_BPW = B // _NW
_CH = 128
_NCH = _BPW // _CH


_C0 = 480
_C1 = 2 * _BPW - _C0
_MAXN = _C1
_MAXCH = -(-_MAXN // _CH)


def _chunks(nrows):
    return [(j * _CH, min(_CH, nrows - j * _CH)) for j in range(-(-nrows // _CH))]


def _author_gather_kernel(idx_hbm, table_hbm, out_hbm, idx_v, rows_v, gsem, ssem):
    s = lax.axis_index("s")
    c = lax.axis_index("c")
    base = s * (2 * _BPW) + c * _C0
    pltpu.sync_copy(idx_hbm.at[pl.ds(base, _MAXN)], idx_v)

    def _run(nrows):
        ch = _chunks(nrows)

        def gather(j):
            off, w = ch[j]
            return pltpu.async_copy(
                table_hbm.at[idx_v.at[pl.ds(off, w)]],
                rows_v.at[(j, pl.ds(0, w))], gsem.at[j])

        def scatter(j):
            off, w = ch[j]
            return pltpu.async_copy(
                rows_v.at[(j, pl.ds(0, w))],
                out_hbm.at[pl.ds(base + off, w)], ssem.at[j])

        depth = min(2, len(ch))
        gathers = [gather(j) for j in range(depth)]
        scatters = []
        for j in range(len(ch)):
            gathers[j].wait()
            scatters.append(scatter(j))
            if j + depth < len(ch):
                gathers.append(gather(j + depth))
        for cp in scatters:
            cp.wait()

    @pl.when(c == 0)
    def _():
        _run(_C0)

    @pl.when(c == 1)
    def _():
        _run(_C1)


def _author_gather(idx_author, table_author):
    mesh = plsc.VectorSubcoreMesh(core_axis_name="c", subcore_axis_name="s")
    k = functools.partial(
        pl.kernel,
        mesh=mesh,
        out_type=jax.ShapeDtypeStruct((B, D), jnp.float32),
        scratch_types=[
            pltpu.VMEM((_MAXN,), jnp.int32),
            pltpu.VMEM((_MAXCH, _CH, D), jnp.float32),
            pltpu.SemaphoreType.DMA((_MAXCH,)),
            pltpu.SemaphoreType.DMA((_MAXCH,)),
        ],
    )(_author_gather_kernel)
    return k(idx_author, table_author)


def _paper_mm_body(x_ref, w_ref, b_ref, o_ref):
    acc = jnp.dot(x_ref[...], w_ref[...], preferred_element_type=jnp.float32)
    o_ref[...] = jnp.maximum(acc + b_ref[...], 0.0)


def _paper_project(node_feats_paper, W_paper, b_paper):
    bm = 8192
    grid = (B // bm,)
    return pl.pallas_call(
        _paper_mm_body,
        grid=grid,
        in_specs=[
            pl.BlockSpec((bm, F), lambda i: (i, 0)),
            pl.BlockSpec((F, D), lambda i: (0, 0)),
            pl.BlockSpec((1, D), lambda i: (0, 0)),
        ],
        out_specs=pl.BlockSpec((bm, D), lambda i: (i, 0)),
        out_shape=jax.ShapeDtypeStruct((B, D), jnp.float32),
    )(node_feats_paper, W_paper, b_paper.reshape(1, D))


def kernel(node_feats_paper, idx_paper, idx_author, table_author, W_paper, b_paper):
    h_author = _author_gather(idx_author, table_author)
    h_paper = _paper_project(node_feats_paper, W_paper, b_paper)
    return (h_paper, h_author)

# --- scband reference (transcript-rebuilt; emitter-appended) ---
"""Pipeline reference for scband-hetero-node-encoder-17179869184371 (READ-ONLY COPY).

The authoritative reference and input builder live on the scoring server;
editing this copy changes nothing except your own understanding.
"""

import jax, jax.numpy as jnp
import numpy as np


def setup_inputs(seed: int = 0) -> dict:
    key = jax.random.key(seed)
    k1, k2, k3, k4, k5 = jax.random.split(key, 5)
    node_feats_paper = jax.random.normal(k1, (16384, 256), dtype=jnp.float32)
    idx_paper = jax.random.randint(k2, (16384,), 0, 100000, dtype=jnp.int32)
    idx_author = jax.random.randint(k3, (16384,), 0, 1000000, dtype=jnp.int32)
    # learned params: trainable embedding table for non-attributed 'author' ntype,
    # Linear projection for attributed 'paper' ntype (256 != embedding_dim 128)
    table_author = jax.random.normal(k4, (1000000, 128), dtype=jnp.float32) * 0.02
    W_paper = jax.random.normal(k5, (256, 128), dtype=jnp.float32) * 0.05
    b_paper = jnp.zeros((128,), dtype=jnp.float32)
    return {
        'node_feats_paper': node_feats_paper,
        'idx_paper': idx_paper,
        'idx_author': idx_author,
        'table_author': table_author,
        'W_paper': W_paper,
        'b_paper': b_paper,
    }


def reference(node_feats_paper, idx_paper, idx_author, table_author, W_paper, b_paper):
    # h_dict starts from provided node_feats; 'paper' present, 'author' absent.
    # author: embedding lookup (ntype not in h_dict)
    h_author = jnp.take(table_author, idx_author, axis=0)
    # paper: in feature_projection (256 -> 128), batchnorm disabled, dropout disabled
    h_paper = node_feats_paper @ W_paper + b_paper
    h_paper = jax.nn.relu(h_paper)
    return (h_paper, h_author)

if __name__ == "__main__":
    import jax
    _d = setup_inputs()
    print(jax.jit(kernel)(*tuple(_d.values())))

</pallas_src>

<mosaic_0001>
#map = affine_map<(d0, d1) -> (0)>
#map1 = affine_map<(d0, d1) -> (0, 0)>
module attributes {stable_mosaic.version = 14 : i64} {
  func.func @_author_gather_kernel(%arg0: i32, %arg1: i32, %arg2: memref<16384xi32, #tpu.memory_space<hbm>>, %arg3: memref<1000000x128xf32, #tpu.memory_space<hbm>>, %arg4: memref<16384x128xf32, #tpu.memory_space<hbm>>, %arg5: memref<544xi32, #tpu.memory_space<vmem>>, %arg6: memref<5x128x128xf32, #tpu.memory_space<vmem>>, %arg7: memref<5x!tpu.dma_semaphore, #tpu.memory_space<semaphore_mem>>, %arg8: memref<5x!tpu.dma_semaphore, #tpu.memory_space<semaphore_mem>>) attributes {dimension_semantics = [#tpu.dimension_semantics<core_parallel>, #tpu.dimension_semantics<subcore_parallel>], iteration_bounds = array<i64: 2, 16>, scalar_prefetch = 0 : i64, scratch_operands = 4 : i64, tpu.core_type = #tpu.core_type<sc_vector_subcore>, window_params = [{transform_indices = #map}, {transform_indices = #map1}, {transform_indices = #map1}]} {
    %mul3A = arith.constant 1024 : i32
    %mul3A_0 = arith.muli %arg1, %mul3A : i32
    %mul3A_1 = arith.constant 480 : i32
    %mul3A_2 = arith.muli %arg0, %mul3A_1 : i32
    %add3A = arith.addi %mul3A_0, %mul3A_2 : i32
    "tpu.region"() ({
      %run_scoped3A = tpu.sem_alloc : memref<!tpu.dma_semaphore, #tpu.memory_space<semaphore_mem>>
      %dma_start3A = tpu.memref_slice %arg2[%add3A] : memref<16384xi32, #tpu.memory_space<hbm>> -> memref<544xi32, #tpu.memory_space<hbm>>
      %dma_start3A_10 = tpu.memref_slice %arg2[%add3A] : memref<16384xi32, #tpu.memory_space<hbm>> -> memref<544xi32, #tpu.memory_space<hbm>>
      tpu.enqueue_dma source(%dma_start3A_10 : memref<544xi32, #tpu.memory_space<hbm>>) target(%arg5 : memref<544xi32, #tpu.memory_space<vmem>>) target_semaphore(%run_scoped3A : memref<!tpu.dma_semaphore, #tpu.memory_space<semaphore_mem>>)
      %dma_wait3A = tpu.memref_slice %arg2[%add3A] : memref<16384xi32, #tpu.memory_space<hbm>> -> memref<544xi32, #tpu.memory_space<hbm>>
      %dma_wait3A_11 = tpu.memref_slice %arg2[%add3A] : memref<16384xi32, #tpu.memory_space<hbm>> -> memref<544xi32, #tpu.memory_space<hbm>>
      tpu.wait_dma2 semaphore(%run_scoped3A : memref<!tpu.dma_semaphore, #tpu.memory_space<semaphore_mem>>) src(%dma_wait3A_11 : memref<544xi32, #tpu.memory_space<hbm>>) dst(%arg5 : memref<544xi32, #tpu.memory_space<vmem>>)
      tpu.yield
    }) : () -> ()
    %eq3A = arith.constant 0 : i32
    %eq3A_3 = arith.cmpi eq, %arg0, %eq3A : i32
    %convert_element_type3A = arith.extui %eq3A_3 : i1 to i32
    %cond3A = arith.constant 0 : i32
    %cond3A_4 = arith.cmpi ne, %convert_element_type3A, %cond3A : i32
    scf.if %cond3A_4 {
      %dma_start3A = arith.constant 0 : i32
      %dma_start3A_10 = arith.constant 0 : i32
      %dma_start3A_11 = arith.constant 0 : i32
      %dma_start3A_12 = arith.constant 0 : i32
      %dma_start3A_13 = tpu.memref_slice %arg6[%dma_start3A, %dma_start3A_11, %dma_start3A_12] : memref<5x128x128xf32, #tpu.memory_space<vmem>> -> memref<1x128x128xf32, #tpu.memory_space<vmem>>
      %dma_start3A_14 = tpu.memref_squeeze %dma_start3A_13 : memref<1x128x128xf32, #tpu.memory_space<vmem>> -> memref<128x128xf32, #tpu.memory_space<vmem>>
      %dma_start3A_15 = arith.constant 0 : i32
      %dma_start3A_16 = tpu.memref_slice %arg5[%dma_start3A_15] : memref<544xi32, #tpu.memory_space<vmem>> -> memref<128xi32, #tpu.memory_space<vmem>>
      %dma_start3A_17 = arith.constant 0 : i32
      %dma_start3A_18 = arith.constant 0 : i32
      %dma_start3A_19 = tpu.memref_slice %arg3[%dma_start3A_17, %dma_start3A_18] : memref<1000000x128xf32, #tpu.memory_space<hbm>> -> memref<1000000x128xf32, #tpu.memory_space<hbm>>
      %dma_start3A_20 = tpu.memref_slice %arg7[%dma_start3A_10] : memref<5x!tpu.dma_semaphore, #tpu.memory_space<semaphore_mem>> -> memref<1x!tpu.dma_semaphore, #tpu.memory_space<semaphore_mem>>
      %dma_start3A_21 = tpu.memref_squeeze %dma_start3A_20 : memref<1x!tpu.dma_semaphore, #tpu.memory_space<semaphore_mem>> -> memref<!tpu.dma_semaphore, #tpu.memory_space<semaphore_mem>>
      tpu.enqueue_indirect_dma source(%dma_start3A_19 : memref<1000000x128xf32, #tpu.memory_space<hbm>>) target(%dma_start3A_14 : memref<128x128xf32, #tpu.memory_space<vmem>>) offsets(%dma_start3A_16 : memref<128xi32, #tpu.memory_space<vmem>>) semaphore(%dma_start3A_21 : memref<!tpu.dma_semaphore, #tpu.memory_space<semaphore_mem>>)
      %dma_start3A_22 = arith.constant 1 : i32
      %dma_start3A_23 = arith.constant 1 : i32
      %dma_start3A_24 = arith.constant 0 : i32
      %dma_start3A_25 = arith.constant 0 : i32
      %dma_start3A_26 = tpu.memref_slice %arg6[%dma_start3A_22, %dma_start3A_24, %dma_start3A_25] : memref<5x128x128xf32, #tpu.memory_space<vmem>> -> memref<1x128x128xf32, #tpu.memory_space<vmem>>
      %dma_start3A_27 = tpu.memref_squeeze %dma_start3A_26 : memref<1x128x128xf32, #tpu.memory_space<vmem>> -> memref<128x128xf32, #tpu.memory_space<vmem>>
      %dma_start3A_28 = arith.constant 128 : i32
      %dma_start3A_29 = tpu.memref_slice %arg5[%dma_start3A_28] : memref<544xi32, #tpu.memory_space<vmem>> -> memref<128xi32, #tpu.memory_space<vmem>>
      %dma_start3A_30 = arith.constant 0 : i32
      %dma_start3A_31 = arith.constant 0 : i32
      %dma_start3A_32 = tpu.memref_slice %arg3[%dma_start3A_30, %dma_start3A_31] : memref<1000000x128xf32, #tpu.memory_space<hbm>> -> memref<1000000x128xf32, #tpu.memory_space<hbm>>
      %dma_start3A_33 = tpu.memref_slice %arg7[%dma_start3A_23] : memref<5x!tpu.dma_semaphore, #tpu.memory_space<semaphore_mem>> -> memref<1x!tpu.dma_semaphore, #tpu.memory_space<semaphore_mem>>
      %dma_start3A_34 = tpu.memref_squeeze %dma_start3A_33 : memref<1x!tpu.dma_semaphore, #tpu.memory_space<semaphore_mem>> -> memref<!tpu.dma_semaphore, #tpu.memory_space<semaphore_mem>>
      tpu.enqueue_indirect_dma source(%dma_start3A_32 : memref<1000000x128xf32, #tpu.memory_space<hbm>>) target(%dma_start3A_27 : memref<128x128xf32, #tpu.memory_space<vmem>>) offsets(%dma_start3A_29 : memref<128xi32, #tpu.memory_space<vmem>>) semaphore(%dma_start3A_34 : memref<!tpu.dma_semaphore, #tpu.memory_space<semaphore_mem>>)
      %dma_wait3A = arith.constant 0 : i32
      %dma_wait3A_35 = arith.constant 0 : i32
      %dma_wait3A_36 = arith.constant 0 : i32
      %dma_wait3A_37 = arith.constant 0 : i32
      %dma_wait3A_38 = tpu.memref_slice %arg6[%dma_wait3A, %dma_wait3A_36, %dma_wait3A_37] : memref<5x128x128xf32, #tpu.memory_space<vmem>> -> memref<1x128x128xf32, #tpu.memory_space<vmem>>
      %dma_wait3A_39 = tpu.memref_squeeze %dma_wait3A_38 : memref<1x128x128xf32, #tpu.memory_space<vmem>> -> memref<128x128xf32, #tpu.memory_space<vmem>>
      %dma_wait3A_40 = arith.constant 0 : i32
      %dma_wait3A_41 = tpu.memref_slice %arg5[%dma_wait3A_40] : memref<544xi32, #tpu.memory_space<vmem>> -> memref<128xi32, #tpu.memory_space<vmem>>
      %dma_wait3A_42 = arith.constant 0 : i32
      %dma_wait3A_43 = arith.constant 0 : i32
      %dma_wait3A_44 = tpu.memref_slice %arg3[%dma_wait3A_42, %dma_wait3A_43] : memref<1000000x128xf32, #tpu.memory_space<hbm>> -> memref<1000000x128xf32, #tpu.memory_space<hbm>>
      %dma_wait3A_45 = tpu.memref_slice %arg7[%dma_wait3A_35] : memref<5x!tpu.dma_semaphore, #tpu.memory_space<semaphore_mem>> -> memref<1x!tpu.dma_semaphore, #tpu.memory_space<semaphore_mem>>
      %dma_wait3A_46 = tpu.memref_squeeze %dma_wait3A_45 : memref<1x!tpu.dma_semaphore, #tpu.memory_space<semaphore_mem>> -> memref<!tpu.dma_semaphore, #tpu.memory_space<semaphore_mem>>
      tpu.wait_indirect_dma semaphore(%dma_wait3A_46 : memref<!tpu.dma_semaphore, #tpu.memory_space<semaphore_mem>>) src(%dma_wait3A_44 : memref<1000000x128xf32, #tpu.memory_space<hbm>>) dst(%dma_wait3A_39 : memref<128x128xf32, #tpu.memory_space<vmem>>)
      %add3A_47 = arith.constant 0 : i32
      %add3A_48 = arith.addi %add3A, %add3A_47 : i32
      %dma_start3A_49 = arith.constant 0 : i32
      %dma_start3A_50 = arith.constant 0 : i32
      %dma_start3A_51 = arith.constant 0 : i32
      %dma_start3A_52 = arith.constant 0 : i32
      %dma_start3A_53 = tpu.memref_slice %arg6[%dma_start3A_49, %dma_start3A_51, %dma_start3A_52] : memref<5x128x128xf32, #tpu.memory_space<vmem>> -> memref<1x128x128xf32, #tpu.memory_space<vmem>>
      %dma_start3A_54 = tpu.memref_squeeze %dma_start3A_53 : memref<1x128x128xf32, #tpu.memory_space<vmem>> -> memref<128x128xf32, #tpu.memory_space<vmem>>
      %dma_start3A_55 = arith.constant 0 : i32
      %dma_start3A_56 = tpu.memref_slice %arg4[%add3A_48, %dma_start3A_55] : memref<16384x128xf32, #tpu.memory_space<hbm>> -> memref<128x128xf32, #tpu.memory_space<hbm>>
      %dma_start3A_57 = tpu.memref_slice %arg8[%dma_start3A_50] : memref<5x!tpu.dma_semaphore, #tpu.memory_space<semaphore_mem>> -> memref<1x!tpu.dma_semaphore, #tpu.memory_space<semaphore_mem>>
      %dma_start3A_58 = tpu.memref_squeeze %dma_start3A_57 : memref<1x!tpu.dma_semaphore, #tpu.memory_space<semaphore_mem>> -> memref<!tpu.dma_semaphore, #tpu.memory_space<semaphore_mem>>
      %dma_start3A_59 = arith.constant 0 : i32
      %dma_start3A_60 = tpu.memref_slice %arg4[%add3A_48, %dma_start3A_59] : memref<16384x128xf32, #tpu.memory_space<hbm>> -> memref<128x128xf32, #tpu.memory_space<hbm>>
      %dma_start3A_61 = arith.constant 0 : i32
      %dma_start3A_62 = arith.constant 0 : i32
      %dma_start3A_63 = tpu.memref_slice %arg6[%dma_start3A_49, %dma_start3A_61, %dma_start3A_62] : memref<5x128x128xf32, #tpu.memory_space<vmem>> -> memref<1x128x128xf32, #tpu.memory_space<vmem>>
      %dma_start3A_64 = tpu.memref_squeeze %dma_start3A_63 : memref<1x128x128xf32, #tpu.memory_space<vmem>> -> memref<128x128xf32, #tpu.memory_space<vmem>>
      tpu.enqueue_dma source(%dma_start3A_64 : memref<128x128xf32, #tpu.memory_space<vmem>>) target(%dma_start3A_60 : memref<128x128xf32, #tpu.memory_space<hbm>>) target_semaphore(%dma_start3A_58 : memref<!tpu.dma_semaphore, #tpu.memory_space<semaphore_mem>>)
      %dma_start3A_65 = arith.constant 2 : i32
      %dma_start3A_66 = arith.constant 2 : i32
      %dma_start3A_67 = arith.constant 0 : i32
      %dma_start3A_68 = arith.constant 0 : i32
      %dma_start3A_69 = tpu.memref_slice %arg6[%dma_start3A_65, %dma_start3A_67, %dma_start3A_68] : memref<5x128x128xf32, #tpu.memory_space<vmem>> -> memref<1x128x128xf32, #tpu.memory_space<vmem>>
      %dma_start3A_70 = tpu.memref_squeeze %dma_start3A_69 : memref<1x128x128xf32, #tpu.memory_space<vmem>> -> memref<128x128xf32, #tpu.memory_space<vmem>>
      %dma_start3A_71 = arith.constant 256 : i32
      %dma_start3A_72 = tpu.memref_slice %arg5[%dma_start3A_71] : memref<544xi32, #tpu.memory_space<vmem>> -> memref<128xi32, #tpu.memory_space<vmem>>
      %dma_start3A_73 = arith.constant 0 : i32
      %dma_start3A_74 = arith.constant 0 : i32
      %dma_start3A_75 = tpu.memref_slice %arg3[%dma_start3A_73, %dma_start3A_74] : memref<1000000x128xf32, #tpu.memory_space<hbm>> -> memref<1000000x128xf32, #tpu.memory_space<hbm>>
      %dma_start3A_76 = tpu.memref_slice %arg7[%dma_start3A_66] : memref<5x!tpu.dma_semaphore, #tpu.memory_space<semaphore_mem>> -> memref<1x!tpu.dma_semaphore, #tpu.memory_space<semaphore_mem>>
      %dma_start3A_77 = tpu.memref_squeeze %dma_start3A_76 : memref<1x!tpu.dma_semaphore, #tpu.memory_space<semaphore_mem>> -> memref<!tpu.dma_semaphore, #tpu.memory_space<semaphore_mem>>
      tpu.enqueue_indirect_dma source(%dma_start3A_75 : memref<1000000x128xf32, #tpu.memory_space<hbm>>) target(%dma_start3A_70 : memref<128x128xf32, #tpu.memory_space<vmem>>) offsets(%dma_start3A_72 : memref<128xi32, #tpu.memory_space<vmem>>) semaphore(%dma_start3A_77 : memref<!tpu.dma_semaphore, #tpu.memory_space<semaphore_mem>>)
      %dma_wait3A_78 = arith.constant 1 : i32
      %dma_wait3A_79 = arith.constant 1 : i32
      %dma_wait3A_80 = arith.constant 0 : i32
      %dma_wait3A_81 = arith.constant 0 : i32
      %dma_wait3A_82 = tpu.memref_slice %arg6[%dma_wait3A_78, %dma_wait3A_80, %dma_wait3A_81] : memref<5x128x128xf32, #tpu.memory_space<vmem>> -> memref<1x128x128xf32, #tpu.memory_space<vmem>>
      %dma_wait3A_83 = tpu.memref_squeeze %dma_wait3A_82 : memref<1x128x128xf32, #tpu.memory_space<vmem>> -> memref<128x128xf32, #tpu.memory_space<vmem>>
      %dma_wait3A_84 = arith.constant 128 : i32
      %dma_wait3A_85 = tpu.memref_slice %arg5[%dma_wait3A_84] : memref<544xi32, #tpu.memory_space<vmem>> -> memref<128xi32, #tpu.memory_space<vmem>>
      %dma_wait3A_86 = arith.constant 0 : i32
      %dma_wait3A_87 = arith.constant 0 : i32
      %dma_wait3A_88 = tpu.memref_slice %arg3[%dma_wait3A_86, %dma_wait3A_87] : memref<1000000x128xf32, #tpu.memory_space<hbm>> -> memref<1000000x128xf32, #tpu.memory_space<hbm>>
      %dma_wait3A_89 = tpu.memref_slice %arg7[%dma_wait3A_79] : memref<5x!tpu.dma_semaphore, #tpu.memory_space<semaphore_mem>> -> memref<1x!tpu.dma_semaphore, #tpu.memory_space<semaphore_mem>>
      %dma_wait3A_90 = tpu.memref_squeeze %dma_wait3A_89 : memref<1x!tpu.dma_semaphore, #tpu.memory_space<semaphore_mem>> -> memref<!tpu.dma_semaphore, #tpu.memory_space<semaphore_mem>>
      tpu.wait_indirect_dma semaphore(%dma_wait3A_90 : memref<!tpu.dma_semaphore, #tpu.memory_space<semaphore_mem>>) src(%dma_wait3A_88 : memref<1000000x128xf32, #tpu.memory_space<hbm>>) dst(%dma_wait3A_83 : memref<128x128xf32, #tpu.memory_space<vmem>>)
      %add3A_91 = arith.constant 128 : i32
      %add3A_92 = arith.addi %add3A, %add3A_91 : i32
      %dma_start3A_93 = arith.constant 1 : i32
      %dma_start3A_94 = arith.constant 1 : i32
      %dma_start3A_95 = arith.constant 0 : i32
      %dma_start3A_96 = arith.constant 0 : i32
      %dma_start3A_97 = tpu.memref_slice %arg6[%dma_start3A_93, %dma_start3A_95, %dma_start3A_96] : memref<5x128x128xf32, #tpu.memory_space<vmem>> -> memref<1x128x128xf32, #tpu.memory_space<vmem>>
      %dma_start3A_98 = tpu.memref_squeeze %dma_start3A_97 : memref<1x128x128xf32, #tpu.memory_space<vmem>> -> memref<128x128xf32, #tpu.memory_space<vmem>>
      %dma_start3A_99 = arith.constant 0 : i32
      %dma_start3A_100 = tpu.memref_slice %arg4[%add3A_92, %dma_start3A_99] : memref<16384x128xf32, #tpu.memory_space<hbm>> -> memref<128x128xf32, #tpu.memory_space<hbm>>
      %dma_start3A_101 = tpu.memref_slice %arg8[%dma_start3A_94] : memref<5x!tpu.dma_semaphore, #tpu.memory_space<semaphore_mem>> -> memref<1x!tpu.dma_semaphore, #tpu.memory_space<semaphore_mem>>
      %dma_start3A_102 = tpu.memref_squeeze %dma_start3A_101 : memref<1x!tpu.dma_semaphore, #tpu.memory_space<semaphore_mem>> -> memref<!tpu.dma_semaphore, #tpu.memory_space<semaphore_mem>>
      %dma_start3A_103 = arith.constant 0 : i32
      %dma_start3A_104 = tpu.memref_slice %arg4[%add3A_92, %dma_start3A_103] : memref<16384x128xf32, #tpu.memory_space<hbm>> -> memref<128x128xf32, #tpu.memory_space<hbm>>
      %dma_start3A_105 = arith.constant 0 : i32
      %dma_start3A_106 = arith.constant 0 : i32
      %dma_start3A_107 = tpu.memref_slice %arg6[%dma_start3A_93, %dma_start3A_105, %dma_start3A_106] : memref<5x128x128xf32, #tpu.memory_space<vmem>> -> memref<1x128x128xf32, #tpu.memory_space<vmem>>
      %dma_start3A_108 = tpu.memref_squeeze %dma_start3A_107 : memref<1x128x128xf32, #tpu.memory_space<vmem>> -> memref<128x128xf32, #tpu.memory_space<vmem>>
      tpu.enqueue_dma source(%dma_start3A_108 : memref<128x128xf32, #tpu.memory_space<vmem>>) target(%dma_start3A_104 : memref<128x128xf32, #tpu.memory_space<hbm>>) target_semaphore(%dma_start3A_102 : memref<!tpu.dma_semaphore, #tpu.memory_space<semaphore_mem>>)
      %dma_start3A_109 = arith.constant 3 : i32
      %dma_start3A_110 = arith.constant 3 : i32
      %dma_start3A_111 = arith.constant 0 : i32
      %dma_start3A_112 = arith.constant 0 : i32
      %dma_start3A_113 = tpu.memref_slice %arg6[%dma_start3A_109, %dma_start3A_111, %dma_start3A_112] : memref<5x128x128xf32, #tpu.memory_space<vmem>> -> memref<1x96x128xf32, #tpu.memory_space<vmem>>
      %dma_start3A_114 = tpu.memref_squeeze %dma_start3A_113 : memref<1x96x128xf32, #tpu.memory_space<vmem>> -> memref<96x128xf32, #tpu.memory_space<vmem>>
      %dma_start3A_115 = arith.constant 384 : i32
      %dma_start3A_116 = tpu.memref_slice %arg5[%dma_start3A_115] : memref<544xi32, #tpu.memory_space<vmem>> -> memref<96xi32, #tpu.memory_space<vmem>>
      %dma_start3A_117 = arith.constant 0 : i32
      %dma_start3A_118 = arith.constant 0 : i32
      %dma_start3A_119 = tpu.memref_slice %arg3[%dma_start3A_117, %dma_start3A_118] : memref<1000000x128xf32, #tpu.memory_space<hbm>> -> memref<1000000x128xf32, #tpu.memory_space<hbm>>
      %dma_start3A_120 = tpu.memref_slice %arg7[%dma_start3A_110] : memref<5x!tpu.dma_semaphore, #tpu.memory_space<semaphore_mem>> -> memref<1x!tpu.dma_semaphore, #tpu.memory_space<semaphore_mem>>
      %dma_start3A_121 = tpu.memref_squeeze %dma_start3A_120 : memref<1x!tpu.dma_semaphore, #tpu.memory_space<semaphore_mem>> -> memref<!tpu.dma_semaphore, #tpu.memory_space<semaphore_mem>>
      tpu.enqueue_indirect_dma source(%dma_start3A_119 : memref<1000000x128xf32, #tpu.memory_space<hbm>>) target(%dma_start3A_114 : memref<96x128xf32, #tpu.memory_space<vmem>>) offsets(%dma_start3A_116 : memref<96xi32, #tpu.memory_space<vmem>>) semaphore(%dma_start3A_121 : memref<!tpu.dma_semaphore, #tpu.memory_space<semaphore_mem>>)
      %dma_wait3A_122 = arith.constant 2 : i32
      %dma_wait3A_123 = arith.constant 2 : i32
      %dma_wait3A_124 = arith.constant 0 : i32
      %dma_wait3A_125 = arith.constant 0 : i32
      %dma_wait3A_126 = tpu.memref_slice %arg6[%dma_wait3A_122, %dma_wait3A_124, %dma_wait3A_125] : memref<5x128x128xf32, #tpu.memory_space<vmem>> -> memref<1x128x128xf32, #tpu.memory_space<vmem>>
      %dma_wait3A_127 = tpu.memref_squeeze %dma_wait3A_126 : memref<1x128x128xf32, #tpu.memory_space<vmem>> -> memref<128x128xf32, #tpu.memory_space<vmem>>
      %dma_wait3A_128 = arith.constant 256 : i32
      %dma_wait3A_129 = tpu.memref_slice %arg5[%dma_wait3A_128] : memref<544xi32, #tpu.memory_space<vmem>> -> memref<128xi32, #tpu.memory_space<vmem>>
      %dma_wait3A_130 = arith.constant 0 : i32
      %dma_wait3A_131 = arith.constant 0 : i32
      %dma_wait3A_132 = tpu.memref_slice %arg3[%dma_wait3A_130, %dma_wait3A_131] : memref<1000000x128xf32, #tpu.memory_space<hbm>> -> memref<1000000x128xf32, #tpu.memory_space<hbm>>
      %dma_wait3A_133 = tpu.memref_slice %arg7[%dma_wait3A_123] : memref<5x!tpu.dma_semaphore, #tpu.memory_space<semaphore_mem>> -> memref<1x!tpu.dma_semaphore, #tpu.memory_space<semaphore_mem>>
      %dma_wait3A_134 = tpu.memref_squeeze %dma_wait3A_133 : memref<1x!tpu.dma_semaphore, #tpu.memory_space<semaphore_mem>> -> memref<!tpu.dma_semaphore, #tpu.memory_space<semaphore_mem>>
      tpu.wait_indirect_dma semaphore(%dma_wait3A_134 : memref<!tpu.dma_semaphore, #tpu.memory_space<semaphore_mem>>) src(%dma_wait3A_132 : memref<1000000x128xf32, #tpu.memory_space<hbm>>) dst(%dma_wait3A_127 : memref<128x128xf32, #tpu.memory_space<vmem>>)
      %add3A_135 = arith.constant 256 : i32
      %add3A_136 = arith.addi %add3A, %add3A_135 : i32
      %dma_start3A_137 = arith.constant 2 : i32
      %dma_start3A_138 = arith.constant 2 : i32
      %dma_start3A_139 = arith.constant 0 : i32
      %dma_start3A_140 = arith.constant 0 : i32
      %dma_start3A_141 = tpu.memref_slice %arg6[%dma_start3A_137, %dma_start3A_139, %dma_start3A_140] : memref<5x128x128xf32, #tpu.memory_space<vmem>> -> memref<1x128x128xf32, #tpu.memory_space<vmem>>
      %dma_start3A_142 = tpu.memref_squeeze %dma_start3A_141 : memref<1x128x128xf32, #tpu.memory_space<vmem>> -> memref<128x128xf32, #tpu.memory_space<vmem>>
      %dma_start3A_143 = arith.constant 0 : i32
      %dma_start3A_144 = tpu.memref_slice %arg4[%add3A_136, %dma_start3A_143] : memref<16384x128xf32, #tpu.memory_space<hbm>> -> memref<128x128xf32, #tpu.memory_space<hbm>>
      %dma_start3A_145 = tpu.memref_slice %arg8[%dma_start3A_138] : memref<5x!tpu.dma_semaphore, #tpu.memory_space<semaphore_mem>> -> memref<1x!tpu.dma_semaphore, #tpu.memory_space<semaphore_mem>>
      %dma_start3A_146 = tpu.memref_squeeze %dma_start3A_145 : memref<1x!tpu.dma_semaphore, #tpu.memory_space<semaphore_mem>> -> memref<!tpu.dma_semaphore, #tpu.memory_space<semaphore_mem>>
      %dma_start3A_147 = arith.constant 0 : i32
      %dma_start3A_148 = tpu.memref_slice %arg4[%add3A_136, %dma_start3A_147] : memref<16384x128xf32, #tpu.memory_space<hbm>> -> memref<128x128xf32, #tpu.memory_space<hbm>>
      %dma_start3A_149 = arith.constant 0 : i32
      %dma_start3A_150 = arith.constant 0 : i32
      %dma_start3A_151 = tpu.memref_slice %arg6[%dma_start3A_137, %dma_start3A_149, %dma_start3A_150] : memref<5x128x128xf32, #tpu.memory_space<vmem>> -> memref<1x128x128xf32, #tpu.memory_space<vmem>>
      %dma_start3A_152 = tpu.memref_squeeze %dma_start3A_151 : memref<1x128x128xf32, #tpu.memory_space<vmem>> -> memref<128x128xf32, #tpu.memory_space<vmem>>
      tpu.enqueue_dma source(%dma_start3A_152 : memref<128x128xf32, #tpu.memory_space<vmem>>) target(%dma_start3A_148 : memref<128x128xf32, #tpu.memory_space<hbm>>) target_semaphore(%dma_start3A_146 : memref<!tpu.dma_semaphore, #tpu.memory_space<semaphore_mem>>)
      %dma_wait3A_153 = arith.constant 3 : i32
      %dma_wait3A_154 = arith.constant 3 : i32
      %dma_wait3A_155 = arith.constant 0 : i32
      %dma_wait3A_156 = arith.constant 0 : i32
      %dma_wait3A_157 = tpu.memref_slice %arg6[%dma_wait3A_153, %dma_wait3A_155, %dma_wait3A_156] : memref<5x128x128xf32, #tpu.memory_space<vmem>> -> memref<1x96x128xf32, #tpu.memory_space<vmem>>
      %dma_wait3A_158 = tpu.memref_squeeze %dma_wait3A_157 : memref<1x96x128xf32, #tpu.memory_space<vmem>> -> memref<96x128xf32, #tpu.memory_space<vmem>>
      %dma_wait3A_159 = arith.constant 384 : i32
      %dma_wait3A_160 = tpu.memref_slice %arg5[%dma_wait3A_159] : memref<544xi32, #tpu.memory_space<vmem>> -> memref<96xi32, #tpu.memory_space<vmem>>
      %dma_wait3A_161 = arith.constant 0 : i32
      %dma_wait3A_162 = arith.constant 0 : i32
      %dma_wait3A_163 = tpu.memref_slice %arg3[%dma_wait3A_161, %dma_wait3A_162] : memref<1000000x128xf32, #tpu.memory_space<hbm>> -> memref<1000000x128xf32, #tpu.memory_space<hbm>>
      %dma_wait3A_164 = tpu.memref_slice %arg7[%dma_wait3A_154] : memref<5x!tpu.dma_semaphore, #tpu.memory_space<semaphore_mem>> -> memref<1x!tpu.dma_semaphore, #tpu.memory_space<semaphore_mem>>
      %dma_wait3A_165 = tpu.memref_squeeze %dma_wait3A_164 : memref<1x!tpu.dma_semaphore, #tpu.memory_space<semaphore_mem>> -> memref<!tpu.dma_semaphore, #tpu.memory_space<semaphore_mem>>
      tpu.wait_indirect_dma semaphore(%dma_wait3A_165 : memref<!tpu.dma_semaphore, #tpu.memory_space<semaphore_mem>>) src(%dma_wait3A_163 : memref<1000000x128xf32, #tpu.memory_space<hbm>>) dst(%dma_wait3A_158 : memref<96x128xf32, #tpu.memory_space<vmem>>)
      %add3A_166 = arith.constant 384 : i32
      %add3A_167 = arith.addi %add3A, %add3A_166 : i32
      %dma_start3A_168 = arith.constant 3 : i32
      %dma_start3A_169 = arith.constant 3 : i32
      %dma_start3A_170 = arith.constant 0 : i32
      %dma_start3A_171 = arith.constant 0 : i32
      %dma_start3A_172 = tpu.memref_slice %arg6[%dma_start3A_168, %dma_start3A_170, %dma_start3A_171] : memref<5x128x128xf32, #tpu.memory_space<vmem>> -> memref<1x96x128xf32, #tpu.memory_space<vmem>>
      %dma_start3A_173 = tpu.memref_squeeze %dma_start3A_172 : memref<1x96x128xf32, #tpu.memory_space<vmem>> -> memref<96x128xf32, #tpu.memory_space<vmem>>
      %dma_start3A_174 = arith.constant 0 : i32
      %dma_start3A_175 = tpu.memref_slice %arg4[%add3A_167, %dma_start3A_174] : memref<16384x128xf32, #tpu.memory_space<hbm>> -> memref<96x128xf32, #tpu.memory_space<hbm>>
      %dma_start3A_176 = tpu.memref_slice %arg8[%dma_start3A_169] : memref<5x!tpu.dma_semaphore, #tpu.memory_space<semaphore_mem>> -> memref<1x!tpu.dma_semaphore, #tpu.memory_space<semaphore_mem>>
      %dma_start3A_177 = tpu.memref_squeeze %dma_start3A_176 : memref<1x!tpu.dma_semaphore, #tpu.memory_space<semaphore_mem>> -> memref<!tpu.dma_semaphore, #tpu.memory_space<semaphore_mem>>
      %dma_start3A_178 = arith.constant 0 : i32
      %dma_start3A_179 = tpu.memref_slice %arg4[%add3A_167, %dma_start3A_178] : memref<16384x128xf32, #tpu.memory_space<hbm>> -> memref<96x128xf32, #tpu.memory_space<hbm>>
      %dma_start3A_180 = arith.constant 0 : i32
      %dma_start3A_181 = arith.constant 0 : i32
      %dma_start3A_182 = tpu.memref_slice %arg6[%dma_start3A_168, %dma_start3A_180, %dma_start3A_181] : memref<5x128x128xf32, #tpu.memory_space<vmem>> -> memref<1x96x128xf32, #tpu.memory_space<vmem>>
      %dma_start3A_183 = tpu.memref_squeeze %dma_start3A_182 : memref<1x96x128xf32, #tpu.memory_space<vmem>> -> memref<96x128xf32, #tpu.memory_space<vmem>>
      tpu.enqueue_dma source(%dma_start3A_183 : memref<96x128xf32, #tpu.memory_space<vmem>>) target(%dma_start3A_179 : memref<96x128xf32, #tpu.memory_space<hbm>>) target_semaphore(%dma_start3A_177 : memref<!tpu.dma_semaphore, #tpu.memory_space<semaphore_mem>>)
      %dma_wait3A_184 = arith.constant 0 : i32
      %dma_wait3A_185 = arith.constant 0 : i32
      %dma_wait3A_186 = arith.constant 0 : i32
      %dma_wait3A_187 = arith.constant 0 : i32
      %dma_wait3A_188 = tpu.memref_slice %arg6[%dma_wait3A_184, %dma_wait3A_186, %dma_wait3A_187] : memref<5x128x128xf32, #tpu.memory_space<vmem>> -> memref<1x128x128xf32, #tpu.memory_space<vmem>>
      %dma_wait3A_189 = tpu.memref_squeeze %dma_wait3A_188 : memref<1x128x128xf32, #tpu.memory_space<vmem>> -> memref<128x128xf32, #tpu.memory_space<vmem>>
      %dma_wait3A_190 = arith.constant 0 : i32
      %dma_wait3A_191 = tpu.memref_slice %arg4[%add3A_48, %dma_wait3A_190] : memref<16384x128xf32, #tpu.memory_space<hbm>> -> memref<128x128xf32, #tpu.memory_space<hbm>>
      %dma_wait3A_192 = tpu.memref_slice %arg8[%dma_wait3A_185] : memref<5x!tpu.dma_semaphore, #tpu.memory_space<semaphore_mem>> -> memref<1x!tpu.dma_semaphore, #tpu.memory_space<semaphore_mem>>
      %dma_wait3A_193 = tpu.memref_squeeze %dma_wait3A_192 : memref<1x!tpu.dma_semaphore, #tpu.memory_space<semaphore_mem>> -> memref<!tpu.dma_semaphore, #tpu.memory_space<semaphore_mem>>
      %dma_wait3A_194 = arith.constant 0 : i32
      %dma_wait3A_195 = tpu.memref_slice %arg4[%add3A_48, %dma_wait3A_194] : memref<16384x128xf32, #tpu.memory_space<hbm>> -> memref<128x128xf32, #tpu.memory_space<hbm>>
      %dma_wait3A_196 = arith.constant 0 : i32
      %dma_wait3A_197 = arith.constant 0 : i32
      %dma_wait3A_198 = tpu.memref_slice %arg6[%dma_wait3A_184, %dma_wait3A_196, %dma_wait3A_197] : memref<5x128x128xf32, #tpu.memory_space<vmem>> -> memref<1x128x128xf32, #tpu.memory_space<vmem>>
      %dma_wait3A_199 = tpu.memref_squeeze %dma_wait3A_198 : memref<1x128x128xf32, #tpu.memory_space<vmem>> -> memref<128x128xf32, #tpu.memory_space<vmem>>
      tpu.wait_dma2 semaphore(%dma_wait3A_193 : memref<!tpu.dma_semaphore, #tpu.memory_space<semaphore_mem>>) src(%dma_wait3A_199 : memref<128x128xf32, #tpu.memory_space<vmem>>) dst(%dma_wait3A_195 : memref<128x128xf32, #tpu.memory_space<hbm>>)
      %dma_wait3A_200 = arith.constant 1 : i32
      %dma_wait3A_201 = arith.constant 1 : i32
      %dma_wait3A_202 = arith.constant 0 : i32
      %dma_wait3A_203 = arith.constant 0 : i32
      %dma_wait3A_204 = tpu.memref_slice %arg6[%dma_wait3A_200, %dma_wait3A_202, %dma_wait3A_203] : memref<5x128x128xf32, #tpu.memory_space<vmem>> -> memref<1x128x128xf32, #tpu.memory_space<vmem>>
      %dma_wait3A_205 = tpu.memref_squeeze %dma_wait3A_204 : memref<1x128x128xf32, #tpu.memory_space<vmem>> -> memref<128x128xf32, #tpu.memory_space<vmem>>
      %dma_wait3A_206 = arith.constant 0 : i32
      %dma_wait3A_207 = tpu.memref_slice %arg4[%add3A_92, %dma_wait3A_206] : memref<16384x128xf32, #tpu.memory_space<hbm>> -> memref<128x128xf32, #tpu.memory_space<hbm>>
      %dma_wait3A_208 = tpu.memref_slice %arg8[%dma_wait3A_201] : memref<5x!tpu.dma_semaphore, #tpu.memory_space<semaphore_mem>> -> memref<1x!tpu.dma_semaphore, #tpu.memory_space<semaphore_mem>>
      %dma_wait3A_209 = tpu.memref_squeeze %dma_wait3A_208 : memref<1x!tpu.dma_semaphore, #tpu.memory_space<semaphore_mem>> -> memref<!tpu.dma_semaphore, #tpu.memory_space<semaphore_mem>>
      %dma_wait3A_210 = arith.constant 0 : i32
      %dma_wait3A_211 = tpu.memref_slice %arg4[%add3A_92, %dma_wait3A_210] : memref<16384x128xf32, #tpu.memory_space<hbm>> -> memref<128x128xf32, #tpu.memory_space<hbm>>
      %dma_wait3A_212 = arith.constant 0 : i32
      %dma_wait3A_213 = arith.constant 0 : i32
      %dma_wait3A_214 = tpu.memref_slice %arg6[%dma_wait3A_200, %dma_wait3A_212, %dma_wait3A_213] : memref<5x128x128xf32, #tpu.memory_space<vmem>> -> memref<1x128x128xf32, #tpu.memory_space<vmem>>
      %dma_wait3A_215 = tpu.memref_squeeze %dma_wait3A_214 : memref<1x128x128xf32, #tpu.memory_space<vmem>> -> memref<128x128xf32, #tpu.memory_space<vmem>>
      tpu.wait_dma2 semaphore(%dma_wait3A_209 : memref<!tpu.dma_semaphore, #tpu.memory_space<semaphore_mem>>) src(%dma_wait3A_215 : memref<128x128xf32, #tpu.memory_space<vmem>>) dst(%dma_wait3A_211 : memref<128x128xf32, #tpu.memory_space<hbm>>)
      %dma_wait3A_216 = arith.constant 2 : i32
      %dma_wait3A_217 = arith.constant 2 : i32
      %dma_wait3A_218 = arith.constant 0 : i32
      %dma_wait3A_219 = arith.constant 0 : i32
      %dma_wait3A_220 = tpu.memref_slice %arg6[%dma_wait3A_216, %dma_wait3A_218, %dma_wait3A_219] : memref<5x128x128xf32, #tpu.memory_space<vmem>> -> memref<1x128x128xf32, #tpu.memory_space<vmem>>
      %dma_wait3A_221 = tpu.memref_squeeze %dma_wait3A_220 : memref<1x128x128xf32, #tpu.memory_space<vmem>> -> memref<128x128xf32, #tpu.memory_space<vmem>>
      %dma_wait3A_222 = arith.constant 0 : i32
      %dma_wait3A_223 = tpu.memref_slice %arg4[%add3A_136, %dma_wait3A_222] : memref<16384x128xf32, #tpu.memory_space<hbm>> -> memref<128x128xf32, #tpu.memory_space<hbm>>
      %dma_wait3A_224 = tpu.memref_slice %arg8[%dma_wait3A_217] : memref<5x!tpu.dma_semaphore, #tpu.memory_space<semaphore_mem>> -> memref<1x!tpu.dma_semaphore, #tpu.memory_space<semaphore_mem>>
      %dma_wait3A_225 = tpu.memref_squeeze %dma_wait3A_224 : memref<1x!tpu.dma_semaphore, #tpu.memory_space<semaphore_mem>> -> memref<!tpu.dma_semaphore, #tpu.memory_space<semaphore_mem>>
      %dma_wait3A_226 = arith.constant 0 : i32
      %dma_wait3A_227 = tpu.memref_slice %arg4[%add3A_136, %dma_wait3A_226] : memref<16384x128xf32, #tpu.memory_space<hbm>> -> memref<128x128xf32, #tpu.memory_space<hbm>>
      %dma_wait3A_228 = arith.constant 0 : i32
      %dma_wait3A_229 = arith.constant 0 : i32
      %dma_wait3A_230 = tpu.memref_slice %arg6[%dma_wait3A_216, %dma_wait3A_228, %dma_wait3A_229] : memref<5x128x128xf32, #tpu.memory_space<vmem>> -> memref<1x128x128xf32, #tpu.memory_space<vmem>>
      %dma_wait3A_231 = tpu.memref_squeeze %dma_wait3A_230 : memref<1x128x128xf32, #tpu.memory_space<vmem>> -> memref<128x128xf32, #tpu.memory_space<vmem>>
      tpu.wait_dma2 semaphore(%dma_wait3A_225 : memref<!tpu.dma_semaphore, #tpu.memory_space<semaphore_mem>>) src(%dma_wait3A_231 : memref<128x128xf32, #tpu.memory_space<vmem>>) dst(%dma_wait3A_227 : memref<128x128xf32, #tpu.memory_space<hbm>>)
      %dma_wait3A_232 = arith.constant 3 : i32
      %dma_wait3A_233 = arith.constant 3 : i32
      %dma_wait3A_234 = arith.constant 0 : i32
      %dma_wait3A_235 = arith.constant 0 : i32
      %dma_wait3A_236 = tpu.memref_slice %arg6[%dma_wait3A_232, %dma_wait3A_234, %dma_wait3A_235] : memref<5x128x128xf32, #tpu.memory_space<vmem>> -> memref<1x96x128xf32, #tpu.memory_space<vmem>>
      %dma_wait3A_237 = tpu.memref_squeeze %dma_wait3A_236 : memref<1x96x128xf32, #tpu.memory_space<vmem>> -> memref<96x128xf32, #tpu.memory_space<vmem>>
      %dma_wait3A_238 = arith.constant 0 : i32
      %dma_wait3A_239 = tpu.memref_slice %arg4[%add3A_167, %dma_wait3A_238] : memref<16384x128xf32, #tpu.memory_space<hbm>> -> memref<96x128xf32, #tpu.memory_space<hbm>>
      %dma_wait3A_240 = tpu.memref_slice %arg8[%dma_wait3A_233] : memref<5x!tpu.dma_semaphore, #tpu.memory_space<semaphore_mem>> -> memref<1x!tpu.dma_semaphore, #tpu.memory_space<semaphore_mem>>
      %dma_wait3A_241 = tpu.memref_squeeze %dma_wait3A_240 : memref<1x!tpu.dma_semaphore, #tpu.memory_space<semaphore_mem>> -> memref<!tpu.dma_semaphore, #tpu.memory_space<semaphore_mem>>
      %dma_wait3A_242 = arith.constant 0 : i32
      %dma_wait3A_243 = tpu.memref_slice %arg4[%add3A_167, %dma_wait3A_242] : memref<16384x128xf32, #tpu.memory_space<hbm>> -> memref<96x128xf32, #tpu.memory_space<hbm>>
      %dma_wait3A_244 = arith.constant 0 : i32
      %dma_wait3A_245 = arith.constant 0 : i32
      %dma_wait3A_246 = tpu.memref_slice %arg6[%dma_wait3A_232, %dma_wait3A_244, %dma_wait3A_245] : memref<5x128x128xf32, #tpu.memory_space<vmem>> -> memref<1x96x128xf32, #tpu.memory_space<vmem>>
      %dma_wait3A_247 = tpu.memref_squeeze %dma_wait3A_246 : memref<1x96x128xf32, #tpu.memory_space<vmem>> -> memref<96x128xf32, #tpu.memory_space<vmem>>
      tpu.wait_dma2 semaphore(%dma_wait3A_241 : memref<!tpu.dma_semaphore, #tpu.memory_space<semaphore_mem>>) src(%dma_wait3A_247 : memref<96x128xf32, #tpu.memory_space<vmem>>) dst(%dma_wait3A_243 : memref<96x128xf32, #tpu.memory_space<hbm>>)
    } else {
    }
    %eq3A_5 = arith.constant 1 : i32
    %eq3A_6 = arith.cmpi eq, %arg0, %eq3A_5 : i32
    %convert_element_type3A_7 = arith.extui %eq3A_6 : i1 to i32
    %cond3A_8 = arith.constant 0 : i32
    %cond3A_9 = arith.cmpi ne, %convert_element_type3A_7, %cond3A_8 : i32
    scf.if %cond3A_9 {
      %dma_start3A = arith.constant 0 : i32
      %dma_start3A_10 = arith.constant 0 : i32
      %dma_start3A_11 = arith.constant 0 : i32
      %dma_start3A_12 = arith.constant 0 : i32
      %dma_start3A_13 = tpu.memref_slice %arg6[%dma_start3A, %dma_start3A_11, %dma_start3A_12] : memref<5x128x128xf32, #tpu.memory_space<vmem>> -> memref<1x128x128xf32, #tpu.memory_space<vmem>>
      %dma_start3A_14 = tpu.memref_squeeze %dma_start3A_13 : memref<1x128x128xf32, #tpu.memory_space<vmem>> -> memref<128x128xf32, #tpu.memory_space<vmem>>
      %dma_start3A_15 = arith.constant 0 : i32
      %dma_start3A_16 = tpu.memref_slice %arg5[%dma_start3A_15] : memref<544xi32, #tpu.memory_space<vmem>> -> memref<128xi32, #tpu.memory_space<vmem>>
      %dma_start3A_17 = arith.constant 0 : i32
      %dma_start3A_18 = arith.constant 0 : i32
      %dma_start3A_19 = tpu.memref_slice %arg3[%dma_start3A_17, %dma_start3A_18] : memref<1000000x128xf32, #tpu.memory_space<hbm>> -> memref<1000000x128xf32, #tpu.memory_space<hbm>>
      %dma_start3A_20 = tpu.memref_slice %arg7[%dma_start3A_10] : memref<5x!tpu.dma_semaphore, #tpu.memory_space<semaphore_mem>> -> memref<1x!tpu.dma_semaphore, #tpu.memory_space<semaphore_mem>>
      %dma_start3A_21 = tpu.memref_squeeze %dma_start3A_20 : memref<1x!tpu.dma_semaphore, #tpu.memory_space<semaphore_mem>> -> memref<!tpu.dma_semaphore, #tpu.memory_space<semaphore_mem>>
      tpu.enqueue_indirect_dma source(%dma_start3A_19 : memref<1000000x128xf32, #tpu.memory_space<hbm>>) target(%dma_start3A_14 : memref<128x128xf32, #tpu.memory_space<vmem>>) offsets(%dma_start3A_16 : memref<128xi32, #tpu.memory_space<vmem>>) semaphore(%dma_start3A_21 : memref<!tpu.dma_semaphore, #tpu.memory_space<semaphore_mem>>)
      %dma_start3A_22 = arith.constant 1 : i32
      %dma_start3A_23 = arith.constant 1 : i32
      %dma_start3A_24 = arith.constant 0 : i32
      %dma_start3A_25 = arith.constant 0 : i32
      %dma_start3A_26 = tpu.memref_slice %arg6[%dma_start3A_22, %dma_start3A_24, %dma_start3A_25] : memref<5x128x128xf32, #tpu.memory_space<vmem>> -> memref<1x128x128xf32, #tpu.memory_space<vmem>>
      %dma_start3A_27 = tpu.memref_squeeze %dma_start3A_26 : memref<1x128x128xf32, #tpu.memory_space<vmem>> -> memref<128x128xf32, #tpu.memory_space<vmem>>
      %dma_start3A_28 = arith.constant 128 : i32
      %dma_start3A_29 = tpu.memref_slice %arg5[%dma_start3A_28] : memref<544xi32, #tpu.memory_space<vmem>> -> memref<128xi32, #tpu.memory_space<vmem>>
      %dma_start3A_30 = arith.constant 0 : i32
      %dma_start3A_31 = arith.constant 0 : i32
      %dma_start3A_32 = tpu.memref_slice %arg3[%dma_start3A_30, %dma_start3A_31] : memref<1000000x128xf32, #tpu.memory_space<hbm>> -> memref<1000000x128xf32, #tpu.memory_space<hbm>>
      %dma_start3A_33 = tpu.memref_slice %arg7[%dma_start3A_23] : memref<5x!tpu.dma_semaphore, #tpu.memory_space<semaphore_mem>> -> memref<1x!tpu.dma_semaphore, #tpu.memory_space<semaphore_mem>>
      %dma_start3A_34 = tpu.memref_squeeze %dma_start3A_33 : memref<1x!tpu.dma_semaphore, #tpu.memory_space<semaphore_mem>> -> memref<!tpu.dma_semaphore, #tpu.memory_space<semaphore_mem>>
      tpu.enqueue_indirect_dma source(%dma_start3A_32 : memref<1000000x128xf32, #tpu.memory_space<hbm>>) target(%dma_start3A_27 : memref<128x128xf32, #tpu.memory_space<vmem>>) offsets(%dma_start3A_29 : memref<128xi32, #tpu.memory_space<vmem>>) semaphore(%dma_start3A_34 : memref<!tpu.dma_semaphore, #tpu.memory_space<semaphore_mem>>)
      %dma_wait3A = arith.constant 0 : i32
      %dma_wait3A_35 = arith.constant 0 : i32
      %dma_wait3A_36 = arith.constant 0 : i32
      %dma_wait3A_37 = arith.constant 0 : i32
      %dma_wait3A_38 = tpu.memref_slice %arg6[%dma_wait3A, %dma_wait3A_36, %dma_wait3A_37] : memref<5x128x128xf32, #tpu.memory_space<vmem>> -> memref<1x128x128xf32, #tpu.memory_space<vmem>>
      %dma_wait3A_39 = tpu.memref_squeeze %dma_wait3A_38 : memref<1x128x128xf32, #tpu.memory_space<vmem>> -> memref<128x128xf32, #tpu.memory_space<vmem>>
      %dma_wait3A_40 = arith.constant 0 : i32
      %dma_wait3A_41 = tpu.memref_slice %arg5[%dma_wait3A_40] : memref<544xi32, #tpu.memory_space<vmem>> -> memref<128xi32, #tpu.memory_space<vmem>>
      %dma_wait3A_42 = arith.constant 0 : i32
      %dma_wait3A_43 = arith.constant 0 : i32
      %dma_wait3A_44 = tpu.memref_slice %arg3[%dma_wait3A_42, %dma_wait3A_43] : memref<1000000x128xf32, #tpu.memory_space<hbm>> -> memref<1000000x128xf32, #tpu.memory_space<hbm>>
      %dma_wait3A_45 = tpu.memref_slice %arg7[%dma_wait3A_35] : memref<5x!tpu.dma_semaphore, #tpu.memory_space<semaphore_mem>> -> memref<1x!tpu.dma_semaphore, #tpu.memory_space<semaphore_mem>>
      %dma_wait3A_46 = tpu.memref_squeeze %dma_wait3A_45 : memref<1x!tpu.dma_semaphore, #tpu.memory_space<semaphore_mem>> -> memref<!tpu.dma_semaphore, #tpu.memory_space<semaphore_mem>>
      tpu.wait_indirect_dma semaphore(%dma_wait3A_46 : memref<!tpu.dma_semaphore, #tpu.memory_space<semaphore_mem>>) src(%dma_wait3A_44 : memref<1000000x128xf32, #tpu.memory_space<hbm>>) dst(%dma_wait3A_39 : memref<128x128xf32, #tpu.memory_space<vmem>>)
      %add3A_47 = arith.constant 0 : i32
      %add3A_48 = arith.addi %add3A, %add3A_47 : i32
      %dma_start3A_49 = arith.constant 0 : i32
      %dma_start3A_50 = arith.constant 0 : i32
      %dma_start3A_51 = arith.constant 0 : i32
      %dma_start3A_52 = arith.constant 0 : i32
      %dma_start3A_53 = tpu.memref_slice %arg6[%dma_start3A_49, %dma_start3A_51, %dma_start3A_52] : memref<5x128x128xf32, #tpu.memory_space<vmem>> -> memref<1x128x128xf32, #tpu.memory_space<vmem>>
      %dma_start3A_54 = tpu.memref_squeeze %dma_start3A_53 : memref<1x128x128xf32, #tpu.memory_space<vmem>> -> memref<128x128xf32, #tpu.memory_space<vmem>>
      %dma_start3A_55 = arith.constant 0 : i32
      %dma_start3A_56 = tpu.memref_slice %arg4[%add3A_48, %dma_start3A_55] : memref<16384x128xf32, #tpu.memory_space<hbm>> -> memref<128x128xf32, #tpu.memory_space<hbm>>
      %dma_start3A_57 = tpu.memref_slice %arg8[%dma_start3A_50] : memref<5x!tpu.dma_semaphore, #tpu.memory_space<semaphore_mem>> -> memref<1x!tpu.dma_semaphore, #tpu.memory_space<semaphore_mem>>
      %dma_start3A_58 = tpu.memref_squeeze %dma_start3A_57 : memref<1x!tpu.dma_semaphore, #tpu.memory_space<semaphore_mem>> -> memref<!tpu.dma_semaphore, #tpu.memory_space<semaphore_mem>>
      %dma_start3A_59 = arith.constant 0 : i32
      %dma_start3A_60 = tpu.memref_slice %arg4[%add3A_48, %dma_start3A_59] : memref<16384x128xf32, #tpu.memory_space<hbm>> -> memref<128x128xf32, #tpu.memory_space<hbm>>
      %dma_start3A_61 = arith.constant 0 : i32
      %dma_start3A_62 = arith.constant 0 : i32
      %dma_start3A_63 = tpu.memref_slice %arg6[%dma_start3A_49, %dma_start3A_61, %dma_start3A_62] : memref<5x128x128xf32, #tpu.memory_space<vmem>> -> memref<1x128x128xf32, #tpu.memory_space<vmem>>
      %dma_start3A_64 = tpu.memref_squeeze %dma_start3A_63 : memref<1x128x128xf32, #tpu.memory_space<vmem>> -> memref<128x128xf32, #tpu.memory_space<vmem>>
      tpu.enqueue_dma source(%dma_start3A_64 : memref<128x128xf32, #tpu.memory_space<vmem>>) target(%dma_start3A_60 : memref<128x128xf32, #tpu.memory_space<hbm>>) target_semaphore(%dma_start3A_58 : memref<!tpu.dma_semaphore, #tpu.memory_space<semaphore_mem>>)
      %dma_start3A_65 = arith.constant 2 : i32
      %dma_start3A_66 = arith.constant 2 : i32
      %dma_start3A_67 = arith.constant 0 : i32
      %dma_start3A_68 = arith.constant 0 : i32
      %dma_start3A_69 = tpu.memref_slice %arg6[%dma_start3A_65, %dma_start3A_67, %dma_start3A_68] : memref<5x128x128xf32, #tpu.memory_space<vmem>> -> memref<1x128x128xf32, #tpu.memory_space<vmem>>
      %dma_start3A_70 = tpu.memref_squeeze %dma_start3A_69 : memref<1x128x128xf32, #tpu.memory_space<vmem>> -> memref<128x128xf32, #tpu.memory_space<vmem>>
      %dma_start3A_71 = arith.constant 256 : i32
      %dma_start3A_72 = tpu.memref_slice %arg5[%dma_start3A_71] : memref<544xi32, #tpu.memory_space<vmem>> -> memref<128xi32, #tpu.memory_space<vmem>>
      %dma_start3A_73 = arith.constant 0 : i32
      %dma_start3A_74 = arith.constant 0 : i32
      %dma_start3A_75 = tpu.memref_slice %arg3[%dma_start3A_73, %dma_start3A_74] : memref<1000000x128xf32, #tpu.memory_space<hbm>> -> memref<1000000x128xf32, #tpu.memory_space<hbm>>
      %dma_start3A_76 = tpu.memref_slice %arg7[%dma_start3A_66] : memref<5x!tpu.dma_semaphore, #tpu.memory_space<semaphore_mem>> -> memref<1x!tpu.dma_semaphore, #tpu.memory_space<semaphore_mem>>
      %dma_start3A_77 = tpu.memref_squeeze %dma_start3A_76 : memref<1x!tpu.dma_semaphore, #tpu.memory_space<semaphore_mem>> -> memref<!tpu.dma_semaphore, #tpu.memory_space<semaphore_mem>>
      tpu.enqueue_indirect_dma source(%dma_start3A_75 : memref<1000000x128xf32, #tpu.memory_space<hbm>>) target(%dma_start3A_70 : memref<128x128xf32, #tpu.memory_space<vmem>>) offsets(%dma_start3A_72 : memref<128xi32, #tpu.memory_space<vmem>>) semaphore(%dma_start3A_77 : memref<!tpu.dma_semaphore, #tpu.memory_space<semaphore_mem>>)
      %dma_wait3A_78 = arith.constant 1 : i32
      %dma_wait3A_79 = arith.constant 1 : i32
      %dma_wait3A_80 = arith.constant 0 : i32
      %dma_wait3A_81 = arith.constant 0 : i32
      %dma_wait3A_82 = tpu.memref_slice %arg6[%dma_wait3A_78, %dma_wait3A_80, %dma_wait3A_81] : memref<5x128x128xf32, #tpu.memory_space<vmem>> -> memref<1x128x128xf32, #tpu.memory_space<vmem>>
      %dma_wait3A_83 = tpu.memref_squeeze %dma_wait3A_82 : memref<1x128x128xf32, #tpu.memory_space<vmem>> -> memref<128x128xf32, #tpu.memory_space<vmem>>
      %dma_wait3A_84 = arith.constant 128 : i32
      %dma_wait3A_85 = tpu.memref_slice %arg5[%dma_wait3A_84] : memref<544xi32, #tpu.memory_space<vmem>> -> memref<128xi32, #tpu.memory_space<vmem>>
      %dma_wait3A_86 = arith.constant 0 : i32
      %dma_wait3A_87 = arith.constant 0 : i32
      %dma_wait3A_88 = tpu.memref_slice %arg3[%dma_wait3A_86, %dma_wait3A_87] : memref<1000000x128xf32, #tpu.memory_space<hbm>> -> memref<1000000x128xf32, #tpu.memory_space<hbm>>
      %dma_wait3A_89 = tpu.memref_slice %arg7[%dma_wait3A_79] : memref<5x!tpu.dma_semaphore, #tpu.memory_space<semaphore_mem>> -> memref<1x!tpu.dma_semaphore, #tpu.memory_space<semaphore_mem>>
      %dma_wait3A_90 = tpu.memref_squeeze %dma_wait3A_89 : memref<1x!tpu.dma_semaphore, #tpu.memory_space<semaphore_mem>> -> memref<!tpu.dma_semaphore, #tpu.memory_space<semaphore_mem>>
      tpu.wait_indirect_dma semaphore(%dma_wait3A_90 : memref<!tpu.dma_semaphore, #tpu.memory_space<semaphore_mem>>) src(%dma_wait3A_88 : memref<1000000x128xf32, #tpu.memory_space<hbm>>) dst(%dma_wait3A_83 : memref<128x128xf32, #tpu.memory_space<vmem>>)
      %add3A_91 = arith.constant 128 : i32
      %add3A_92 = arith.addi %add3A, %add3A_91 : i32
      %dma_start3A_93 = arith.constant 1 : i32
      %dma_start3A_94 = arith.constant 1 : i32
      %dma_start3A_95 = arith.constant 0 : i32
      %dma_start3A_96 = arith.constant 0 : i32
      %dma_start3A_97 = tpu.memref_slice %arg6[%dma_start3A_93, %dma_start3A_95, %dma_start3A_96] : memref<5x128x128xf32, #tpu.memory_space<vmem>> -> memref<1x128x128xf32, #tpu.memory_space<vmem>>
      %dma_start3A_98 = tpu.memref_squeeze %dma_start3A_97 : memref<1x128x128xf32, #tpu.memory_space<vmem>> -> memref<128x128xf32, #tpu.memory_space<vmem>>
      %dma_start3A_99 = arith.constant 0 : i32
      %dma_start3A_100 = tpu.memref_slice %arg4[%add3A_92, %dma_start3A_99] : memref<16384x128xf32, #tpu.memory_space<hbm>> -> memref<128x128xf32, #tpu.memory_space<hbm>>
      %dma_start3A_101 = tpu.memref_slice %arg8[%dma_start3A_94] : memref<5x!tpu.dma_semaphore, #tpu.memory_space<semaphore_mem>> -> memref<1x!tpu.dma_semaphore, #tpu.memory_space<semaphore_mem>>
      %dma_start3A_102 = tpu.memref_squeeze %dma_start3A_101 : memref<1x!tpu.dma_semaphore, #tpu.memory_space<semaphore_mem>> -> memref<!tpu.dma_semaphore, #tpu.memory_space<semaphore_mem>>
      %dma_start3A_103 = arith.constant 0 : i32
      %dma_start3A_104 = tpu.memref_slice %arg4[%add3A_92, %dma_start3A_103] : memref<16384x128xf32, #tpu.memory_space<hbm>> -> memref<128x128xf32, #tpu.memory_space<hbm>>
      %dma_start3A_105 = arith.constant 0 : i32
      %dma_start3A_106 = arith.constant 0 : i32
      %dma_start3A_107 = tpu.memref_slice %arg6[%dma_start3A_93, %dma_start3A_105, %dma_start3A_106] : memref<5x128x128xf32, #tpu.memory_space<vmem>> -> memref<1x128x128xf32, #tpu.memory_space<vmem>>
      %dma_start3A_108 = tpu.memref_squeeze %dma_start3A_107 : memref<1x128x128xf32, #tpu.memory_space<vmem>> -> memref<128x128xf32, #tpu.memory_space<vmem>>
      tpu.enqueue_dma source(%dma_start3A_108 : memref<128x128xf32, #tpu.memory_space<vmem>>) target(%dma_start3A_104 : memref<128x128xf32, #tpu.memory_space<hbm>>) target_semaphore(%dma_start3A_102 : memref<!tpu.dma_semaphore, #tpu.memory_space<semaphore_mem>>)
      %dma_start3A_109 = arith.constant 3 : i32
      %dma_start3A_110 = arith.constant 3 : i32
      %dma_start3A_111 = arith.constant 0 : i32
      %dma_start3A_112 = arith.constant 0 : i32
      %dma_start3A_113 = tpu.memref_slice %arg6[%dma_start3A_109, %dma_start3A_111, %dma_start3A_112] : memref<5x128x128xf32, #tpu.memory_space<vmem>> -> memref<1x128x128xf32, #tpu.memory_space<vmem>>
      %dma_start3A_114 = tpu.memref_squeeze %dma_start3A_113 : memref<1x128x128xf32, #tpu.memory_space<vmem>> -> memref<128x128xf32, #tpu.memory_space<vmem>>
      %dma_start3A_115 = arith.constant 384 : i32
      %dma_start3A_116 = tpu.memref_slice %arg5[%dma_start3A_115] : memref<544xi32, #tpu.memory_space<vmem>> -> memref<128xi32, #tpu.memory_space<vmem>>
      %dma_start3A_117 = arith.constant 0 : i32
      %dma_start3A_118 = arith.constant 0 : i32
      %dma_start3A_119 = tpu.memref_slice %arg3[%dma_start3A_117, %dma_start3A_118] : memref<1000000x128xf32, #tpu.memory_space<hbm>> -> memref<1000000x128xf32, #tpu.memory_space<hbm>>
      %dma_start3A_120 = tpu.memref_slice %arg7[%dma_start3A_110] : memref<5x!tpu.dma_semaphore, #tpu.memory_space<semaphore_mem>> -> memref<1x!tpu.dma_semaphore, #tpu.memory_space<semaphore_mem>>
      %dma_start3A_121 = tpu.memref_squeeze %dma_start3A_120 : memref<1x!tpu.dma_semaphore, #tpu.memory_space<semaphore_mem>> -> memref<!tpu.dma_semaphore, #tpu.memory_space<semaphore_mem>>
      tpu.enqueue_indirect_dma source(%dma_start3A_119 : memref<1000000x128xf32, #tpu.memory_space<hbm>>) target(%dma_start3A_114 : memref<128x128xf32, #tpu.memory_space<vmem>>) offsets(%dma_start3A_116 : memref<128xi32, #tpu.memory_space<vmem>>) semaphore(%dma_start3A_121 : memref<!tpu.dma_semaphore, #tpu.memory_space<semaphore_mem>>)
      %dma_wait3A_122 = arith.constant 2 : i32
      %dma_wait3A_123 = arith.constant 2 : i32
      %dma_wait3A_124 = arith.constant 0 : i32
      %dma_wait3A_125 = arith.constant 0 : i32
      %dma_wait3A_126 = tpu.memref_slice %arg6[%dma_wait3A_122, %dma_wait3A_124, %dma_wait3A_125] : memref<5x128x128xf32, #tpu.memory_space<vmem>> -> memref<1x128x128xf32, #tpu.memory_space<vmem>>
      %dma_wait3A_127 = tpu.memref_squeeze %dma_wait3A_126 : memref<1x128x128xf32, #tpu.memory_space<vmem>> -> memref<128x128xf32, #tpu.memory_space<vmem>>
      %dma_wait3A_128 = arith.constant 256 : i32
      %dma_wait3A_129 = tpu.memref_slice %arg5[%dma_wait3A_128] : memref<544xi32, #tpu.memory_space<vmem>> -> memref<128xi32, #tpu.memory_space<vmem>>
      %dma_wait3A_130 = arith.constant 0 : i32
      %dma_wait3A_131 = arith.constant 0 : i32
      %dma_wait3A_132 = tpu.memref_slice %arg3[%dma_wait3A_130, %dma_wait3A_131] : memref<1000000x128xf32, #tpu.memory_space<hbm>> -> memref<1000000x128xf32, #tpu.memory_space<hbm>>
      %dma_wait3A_133 = tpu.memref_slice %arg7[%dma_wait3A_123] : memref<5x!tpu.dma_semaphore, #tpu.memory_space<semaphore_mem>> -> memref<1x!tpu.dma_semaphore, #tpu.memory_space<semaphore_mem>>
      %dma_wait3A_134 = tpu.memref_squeeze %dma_wait3A_133 : memref<1x!tpu.dma_semaphore, #tpu.memory_space<semaphore_mem>> -> memref<!tpu.dma_semaphore, #tpu.memory_space<semaphore_mem>>
      tpu.wait_indirect_dma semaphore(%dma_wait3A_134 : memref<!tpu.dma_semaphore, #tpu.memory_space<semaphore_mem>>) src(%dma_wait3A_132 : memref<1000000x128xf32, #tpu.memory_space<hbm>>) dst(%dma_wait3A_127 : memref<128x128xf32, #tpu.memory_space<vmem>>)
      %add3A_135 = arith.constant 256 : i32
      %add3A_136 = arith.addi %add3A, %add3A_135 : i32
      %dma_start3A_137 = arith.constant 2 : i32
      %dma_start3A_138 = arith.constant 2 : i32
      %dma_start3A_139 = arith.constant 0 : i32
      %dma_start3A_140 = arith.constant 0 : i32
      %dma_start3A_141 = tpu.memref_slice %arg6[%dma_start3A_137, %dma_start3A_139, %dma_start3A_140] : memref<5x128x128xf32, #tpu.memory_space<vmem>> -> memref<1x128x128xf32, #tpu.memory_space<vmem>>
      %dma_start3A_142 = tpu.memref_squeeze %dma_start3A_141 : memref<1x128x128xf32, #tpu.memory_space<vmem>> -> memref<128x128xf32, #tpu.memory_space<vmem>>
      %dma_start3A_143 = arith.constant 0 : i32
      %dma_start3A_144 = tpu.memref_slice %arg4[%add3A_136, %dma_start3A_143] : memref<16384x128xf32, #tpu.memory_space<hbm>> -> memref<128x128xf32, #tpu.memory_space<hbm>>
      %dma_start3A_145 = tpu.memref_slice %arg8[%dma_start3A_138] : memref<5x!tpu.dma_semaphore, #tpu.memory_space<semaphore_mem>> -> memref<1x!tpu.dma_semaphore, #tpu.memory_space<semaphore_mem>>
      %dma_start3A_146 = tpu.memref_squeeze %dma_start3A_145 : memref<1x!tpu.dma_semaphore, #tpu.memory_space<semaphore_mem>> -> memref<!tpu.dma_semaphore, #tpu.memory_space<semaphore_mem>>
      %dma_start3A_147 = arith.constant 0 : i32
      %dma_start3A_148 = tpu.memref_slice %arg4[%add3A_136, %dma_start3A_147] : memref<16384x128xf32, #tpu.memory_space<hbm>> -> memref<128x128xf32, #tpu.memory_space<hbm>>
      %dma_start3A_149 = arith.constant 0 : i32
      %dma_start3A_150 = arith.constant 0 : i32
      %dma_start3A_151 = tpu.memref_slice %arg6[%dma_start3A_137, %dma_start3A_149, %dma_start3A_150] : memref<5x128x128xf32, #tpu.memory_space<vmem>> -> memref<1x128x128xf32, #tpu.memory_space<vmem>>
      %dma_start3A_152 = tpu.memref_squeeze %dma_start3A_151 : memref<1x128x128xf32, #tpu.memory_space<vmem>> -> memref<128x128xf32, #tpu.memory_space<vmem>>
      tpu.enqueue_dma source(%dma_start3A_152 : memref<128x128xf32, #tpu.memory_space<vmem>>) target(%dma_start3A_148 : memref<128x128xf32, #tpu.memory_space<hbm>>) target_semaphore(%dma_start3A_146 : memref<!tpu.dma_semaphore, #tpu.memory_space<semaphore_mem>>)
      %dma_start3A_153 = arith.constant 4 : i32
      %dma_start3A_154 = arith.constant 4 : i32
      %dma_start3A_155 = arith.constant 0 : i32
      %dma_start3A_156 = arith.constant 0 : i32
      %dma_start3A_157 = tpu.memref_slice %arg6[%dma_start3A_153, %dma_start3A_155, %dma_start3A_156] : memref<5x128x128xf32, #tpu.memory_space<vmem>> -> memref<1x32x128xf32, #tpu.memory_space<vmem>>
      %dma_start3A_158 = tpu.memref_squeeze %dma_start3A_157 : memref<1x32x128xf32, #tpu.memory_space<vmem>> -> memref<32x128xf32, #tpu.memory_space<vmem>>
      %dma_start3A_159 = arith.constant 512 : i32
      %dma_start3A_160 = tpu.memref_slice %arg5[%dma_start3A_159] : memref<544xi32, #tpu.memory_space<vmem>> -> memref<32xi32, #tpu.memory_space<vmem>>
      %dma_start3A_161 = arith.constant 0 : i32
      %dma_start3A_162 = arith.constant 0 : i32
      %dma_start3A_163 = tpu.memref_slice %arg3[%dma_start3A_161, %dma_start3A_162] : memref<1000000x128xf32, #tpu.memory_space<hbm>> -> memref<1000000x128xf32, #tpu.memory_space<hbm>>
      %dma_start3A_164 = tpu.memref_slice %arg7[%dma_start3A_154] : memref<5x!tpu.dma_semaphore, #tpu.memory_space<semaphore_mem>> -> memref<1x!tpu.dma_semaphore, #tpu.memory_space<semaphore_mem>>
      %dma_start3A_165 = tpu.memref_squeeze %dma_start3A_164 : memref<1x!tpu.dma_semaphore, #tpu.memory_space<semaphore_mem>> -> memref<!tpu.dma_semaphore, #tpu.memory_space<semaphore_mem>>
      tpu.enqueue_indirect_dma source(%dma_start3A_163 : memref<1000000x128xf32, #tpu.memory_space<hbm>>) target(%dma_start3A_158 : memref<32x128xf32, #tpu.memory_space<vmem>>) offsets(%dma_start3A_160 : memref<32xi32, #tpu.memory_space<vmem>>) semaphore(%dma_start3A_165 : memref<!tpu.dma_semaphore, #tpu.memory_space<semaphore_mem>>)
      %dma_wait3A_166 = arith.constant 3 : i32
      %dma_wait3A_167 = arith.constant 3 : i32
      %dma_wait3A_168 = arith.constant 0 : i32
      %dma_wait3A_169 = arith.constant 0 : i32
      %dma_wait3A_170 = tpu.memref_slice %arg6[%dma_wait3A_166, %dma_wait3A_168, %dma_wait3A_169] : memref<5x128x128xf32, #tpu.memory_space<vmem>> -> memref<1x128x128xf32, #tpu.memory_space<vmem>>
      %dma_wait3A_171 = tpu.memref_squeeze %dma_wait3A_170 : memref<1x128x128xf32, #tpu.memory_space<vmem>> -> memref<128x128xf32, #tpu.memory_space<vmem>>
      %dma_wait3A_172 = arith.constant 384 : i32
      %dma_wait3A_173 = tpu.memref_slice %arg5[%dma_wait3A_172] : memref<544xi32, #tpu.memory_space<vmem>> -> memref<128xi32, #tpu.memory_space<vmem>>
      %dma_wait3A_174 = arith.constant 0 : i32
      %dma_wait3A_175 = arith.constant 0 : i32
      %dma_wait3A_176 = tpu.memref_slice %arg3[%dma_wait3A_174, %dma_wait3A_175] : memref<1000000x128xf32, #tpu.memory_space<hbm>> -> memref<1000000x128xf32, #tpu.memory_space<hbm>>
      %dma_wait3A_177 = tpu.memref_slice %arg7[%dma_wait3A_167] : memref<5x!tpu.dma_semaphore, #tpu.memory_space<semaphore_mem>> -> memref<1x!tpu.dma_semaphore, #tpu.memory_space<semaphore_mem>>
      %dma_wait3A_178 = tpu.memref_squeeze %dma_wait3A_177 : memref<1x!tpu.dma_semaphore, #tpu.memory_space<semaphore_mem>> -> memref<!tpu.dma_semaphore, #tpu.memory_space<semaphore_mem>>
      tpu.wait_indirect_dma semaphore(%dma_wait3A_178 : memref<!tpu.dma_semaphore, #tpu.memory_space<semaphore_mem>>) src(%dma_wait3A_176 : memref<1000000x128xf32, #tpu.memory_space<hbm>>) dst(%dma_wait3A_171 : memref<128x128xf32, #tpu.memory_space<vmem>>)
      %add3A_179 = arith.constant 384 : i32
      %add3A_180 = arith.addi %add3A, %add3A_179 : i32
      %dma_start3A_181 = arith.constant 3 : i32
      %dma_start3A_182 = arith.constant 3 : i32
      %dma_start3A_183 = arith.constant 0 : i32
      %dma_start3A_184 = arith.constant 0 : i32
      %dma_start3A_185 = tpu.memref_slice %arg6[%dma_start3A_181, %dma_start3A_183, %dma_start3A_184] : memref<5x128x128xf32, #tpu.memory_space<vmem>> -> memref<1x128x128xf32, #tpu.memory_space<vmem>>
      %dma_start3A_186 = tpu.memref_squeeze %dma_start3A_185 : memref<1x128x128xf32, #tpu.memory_space<vmem>> -> memref<128x128xf32, #tpu.memory_space<vmem>>
      %dma_start3A_187 = arith.constant 0 : i32
      %dma_start3A_188 = tpu.memref_slice %arg4[%add3A_180, %dma_start3A_187] : memref<16384x128xf32, #tpu.memory_space<hbm>> -> memref<128x128xf32, #tpu.memory_space<hbm>>
      %dma_start3A_189 = tpu.memref_slice %arg8[%dma_start3A_182] : memref<5x!tpu.dma_semaphore, #tpu.memory_space<semaphore_mem>> -> memref<1x!tpu.dma_semaphore, #tpu.memory_space<semaphore_mem>>
      %dma_start3A_190 = tpu.memref_squeeze %dma_start3A_189 : memref<1x!tpu.dma_semaphore, #tpu.memory_space<semaphore_mem>> -> memref<!tpu.dma_semaphore, #tpu.memory_space<semaphore_mem>>
      %dma_start3A_191 = arith.constant 0 : i32
      %dma_start3A_192 = tpu.memref_slice %arg4[%add3A_180, %dma_start3A_191] : memref<16384x128xf32, #tpu.memory_space<hbm>> -> memref<128x128xf32, #tpu.memory_space<hbm>>
      %dma_start3A_193 = arith.constant 0 : i32
      %dma_start3A_194 = arith.constant 0 : i32
      %dma_start3A_195 = tpu.memref_slice %arg6[%dma_start3A_181, %dma_start3A_193, %dma_start3A_194] : memref<5x128x128xf32, #tpu.memory_space<vmem>> -> memref<1x128x128xf32, #tpu.memory_space<vmem>>
      %dma_start3A_196 = tpu.memref_squeeze %dma_start3A_195 : memref<1x128x128xf32, #tpu.memory_space<vmem>> -> memref<128x128xf32, #tpu.memory_space<vmem>>
      tpu.enqueue_dma source(%dma_start3A_196 : memref<128x128xf32, #tpu.memory_space<vmem>>) target(%dma_start3A_192 : memref<128x128xf32, #tpu.memory_space<hbm>>) target_semaphore(%dma_start3A_190 : memref<!tpu.dma_semaphore, #tpu.memory_space<semaphore_mem>>)
      %dma_wait3A_197 = arith.constant 4 : i32
      %dma_wait3A_198 = arith.constant 4 : i32
      %dma_wait3A_199 = arith.constant 0 : i32
      %dma_wait3A_200 = arith.constant 0 : i32
      %dma_wait3A_201 = tpu.memref_slice %arg6[%dma_wait3A_197, %dma_wait3A_199, %dma_wait3A_200] : memref<5x128x128xf32, #tpu.memory_space<vmem>> -> memref<1x32x128xf32, #tpu.memory_space<vmem>>
      %dma_wait3A_202 = tpu.memref_squeeze %dma_wait3A_201 : memref<1x32x128xf32, #tpu.memory_space<vmem>> -> memref<32x128xf32, #tpu.memory_space<vmem>>
      %dma_wait3A_203 = arith.constant 512 : i32
      %dma_wait3A_204 = tpu.memref_slice %arg5[%dma_wait3A_203] : memref<544xi32, #tpu.memory_space<vmem>> -> memref<32xi32, #tpu.memory_space<vmem>>
      %dma_wait3A_205 = arith.constant 0 : i32
      %dma_wait3A_206 = arith.constant 0 : i32
      %dma_wait3A_207 = tpu.memref_slice %arg3[%dma_wait3A_205, %dma_wait3A_206] : memref<1000000x128xf32, #tpu.memory_space<hbm>> -> memref<1000000x128xf32, #tpu.memory_space<hbm>>
      %dma_wait3A_208 = tpu.memref_slice %arg7[%dma_wait3A_198] : memref<5x!tpu.dma_semaphore, #tpu.memory_space<semaphore_mem>> -> memref<1x!tpu.dma_semaphore, #tpu.memory_space<semaphore_mem>>
      %dma_wait3A_209 = tpu.memref_squeeze %dma_wait3A_208 : memref<1x!tpu.dma_semaphore, #tpu.memory_space<semaphore_mem>> -> memref<!tpu.dma_semaphore, #tpu.memory_space<semaphore_mem>>
      tpu.wait_indirect_dma semaphore(%dma_wait3A_209 : memref<!tpu.dma_semaphore, #tpu.memory_space<semaphore_mem>>) src(%dma_wait3A_207 : memref<1000000x128xf32, #tpu.memory_space<hbm>>) dst(%dma_wait3A_202 : memref<32x128xf32, #tpu.memory_space<vmem>>)
      %add3A_210 = arith.constant 512 : i32
      %add3A_211 = arith.addi %add3A, %add3A_210 : i32
      %dma_start3A_212 = arith.constant 4 : i32
      %dma_start3A_213 = arith.constant 4 : i32
      %dma_start3A_214 = arith.constant 0 : i32
      %dma_start3A_215 = arith.constant 0 : i32
      %dma_start3A_216 = tpu.memref_slice %arg6[%dma_start3A_212, %dma_start3A_214, %dma_start3A_215] : memref<5x128x128xf32, #tpu.memory_space<vmem>> -> memref<1x32x128xf32, #tpu.memory_space<vmem>>
      %dma_start3A_217 = tpu.memref_squeeze %dma_start3A_216 : memref<1x32x128xf32, #tpu.memory_space<vmem>> -> memref<32x128xf32, #tpu.memory_space<vmem>>
      %dma_start3A_218 = arith.constant 0 : i32
      %dma_start3A_219 = tpu.memref_slice %arg4[%add3A_211, %dma_start3A_218] : memref<16384x128xf32, #tpu.memory_space<hbm>> -> memref<32x128xf32, #tpu.memory_space<hbm>>
      %dma_start3A_220 = tpu.memref_slice %arg8[%dma_start3A_213] : memref<5x!tpu.dma_semaphore, #tpu.memory_space<semaphore_mem>> -> memref<1x!tpu.dma_semaphore, #tpu.memory_space<semaphore_mem>>
      %dma_start3A_221 = tpu.memref_squeeze %dma_start3A_220 : memref<1x!tpu.dma_semaphore, #tpu.memory_space<semaphore_mem>> -> memref<!tpu.dma_semaphore, #tpu.memory_space<semaphore_mem>>
      %dma_start3A_222 = arith.constant 0 : i32
      %dma_start3A_223 = tpu.memref_slice %arg4[%add3A_211, %dma_start3A_222] : memref<16384x128xf32, #tpu.memory_space<hbm>> -> memref<32x128xf32, #tpu.memory_space<hbm>>
      %dma_start3A_224 = arith.constant 0 : i32
      %dma_start3A_225 = arith.constant 0 : i32
      %dma_start3A_226 = tpu.memref_slice %arg6[%dma_start3A_212, %dma_start3A_224, %dma_start3A_225] : memref<5x128x128xf32, #tpu.memory_space<vmem>> -> memref<1x32x128xf32, #tpu.memory_space<vmem>>
      %dma_start3A_227 = tpu.memref_squeeze %dma_start3A_226 : memref<1x32x128xf32, #tpu.memory_space<vmem>> -> memref<32x128xf32, #tpu.memory_space<vmem>>
      tpu.enqueue_dma source(%dma_start3A_227 : memref<32x128xf32, #tpu.memory_space<vmem>>) target(%dma_start3A_223 : memref<32x128xf32, #tpu.memory_space<hbm>>) target_semaphore(%dma_start3A_221 : memref<!tpu.dma_semaphore, #tpu.memory_space<semaphore_mem>>)
      %dma_wait3A_228 = arith.constant 0 : i32
      %dma_wait3A_229 = arith.constant 0 : i32
      %dma_wait3A_230 = arith.constant 0 : i32
      %dma_wait3A_231 = arith.constant 0 : i32
      %dma_wait3A_232 = tpu.memref_slice %arg6[%dma_wait3A_228, %dma_wait3A_230, %dma_wait3A_231] : memref<5x128x128xf32, #tpu.memory_space<vmem>> -> memref<1x128x128xf32, #tpu.memory_space<vmem>>
      %dma_wait3A_233 = tpu.memref_squeeze %dma_wait3A_232 : memref<1x128x128xf32, #tpu.memory_space<vmem>> -> memref<128x128xf32, #tpu.memory_space<vmem>>
      %dma_wait3A_234 = arith.constant 0 : i32
      %dma_wait3A_235 = tpu.memref_slice %arg4[%add3A_48, %dma_wait3A_234] : memref<16384x128xf32, #tpu.memory_space<hbm>> -> memref<128x128xf32, #tpu.memory_space<hbm>>
      %dma_wait3A_236 = tpu.memref_slice %arg8[%dma_wait3A_229] : memref<5x!tpu.dma_semaphore, #tpu.memory_space<semaphore_mem>> -> memref<1x!tpu.dma_semaphore, #tpu.memory_space<semaphore_mem>>
      %dma_wait3A_237 = tpu.memref_squeeze %dma_wait3A_236 : memref<1x!tpu.dma_semaphore, #tpu.memory_space<semaphore_mem>> -> memref<!tpu.dma_semaphore, #tpu.memory_space<semaphore_mem>>
      %dma_wait3A_238 = arith.constant 0 : i32
      %dma_wait3A_239 = tpu.memref_slice %arg4[%add3A_48, %dma_wait3A_238] : memref<16384x128xf32, #tpu.memory_space<hbm>> -> memref<128x128xf32, #tpu.memory_space<hbm>>
      %dma_wait3A_240 = arith.constant 0 : i32
      %dma_wait3A_241 = arith.constant 0 : i32
      %dma_wait3A_242 = tpu.memref_slice %arg6[%dma_wait3A_228, %dma_wait3A_240, %dma_wait3A_241] : memref<5x128x128xf32, #tpu.memory_space<vmem>> -> memref<1x128x128xf32, #tpu.memory_space<vmem>>
      %dma_wait3A_243 = tpu.memref_squeeze %dma_wait3A_242 : memref<1x128x128xf32, #tpu.memory_space<vmem>> -> memref<128x128xf32, #tpu.memory_space<vmem>>
      tpu.wait_dma2 semaphore(%dma_wait3A_237 : memref<!tpu.dma_semaphore, #tpu.memory_space<semaphore_mem>>) src(%dma_wait3A_243 : memref<128x128xf32, #tpu.memory_space<vmem>>) dst(%dma_wait3A_239 : memref<128x128xf32, #tpu.memory_space<hbm>>)
      %dma_wait3A_244 = arith.constant 1 : i32
      %dma_wait3A_245 = arith.constant 1 : i32
      %dma_wait3A_246 = arith.constant 0 : i32
      %dma_wait3A_247 = arith.constant 0 : i32
      %dma_wait3A_248 = tpu.memref_slice %arg6[%dma_wait3A_244, %dma_wait3A_246, %dma_wait3A_247] : memref<5x128x128xf32, #tpu.memory_space<vmem>> -> memref<1x128x128xf32, #tpu.memory_space<vmem>>
      %dma_wait3A_249 = tpu.memref_squeeze %dma_wait3A_248 : memref<1x128x128xf32, #tpu.memory_space<vmem>> -> memref<128x128xf32, #tpu.memory_space<vmem>>
      %dma_wait3A_250 = arith.constant 0 : i32
      %dma_wait3A_251 = tpu.memref_slice %arg4[%add3A_92, %dma_wait3A_250] : memref<16384x128xf32, #tpu.memory_space<hbm>> -> memref<128x128xf32, #tpu.memory_space<hbm>>
      %dma_wait3A_252 = tpu.memref_slice %arg8[%dma_wait3A_245] : memref<5x!tpu.dma_semaphore, #tpu.memory_space<semaphore_mem>> -> memref<1x!tpu.dma_semaphore, #tpu.memory_space<semaphore_mem>>
      %dma_wait3A_253 = tpu.memref_squeeze %dma_wait3A_252 : memref<1x!tpu.dma_semaphore, #tpu.memory_space<semaphore_mem>> -> memref<!tpu.dma_semaphore, #tpu.memory_space<semaphore_mem>>
      %dma_wait3A_254 = arith.constant 0 : i32
      %dma_wait3A_255 = tpu.memref_slice %arg4[%add3A_92, %dma_wait3A_254] : memref<16384x128xf32, #tpu.memory_space<hbm>> -> memref<128x128xf32, #tpu.memory_space<hbm>>
      %dma_wait3A_256 = arith.constant 0 : i32
      %dma_wait3A_257 = arith.constant 0 : i32
      %dma_wait3A_258 = tpu.memref_slice %arg6[%dma_wait3A_244, %dma_wait3A_256, %dma_wait3A_257] : memref<5x128x128xf32, #tpu.memory_space<vmem>> -> memref<1x128x128xf32, #tpu.memory_space<vmem>>
      %dma_wait3A_259 = tpu.memref_squeeze %dma_wait3A_258 : memref<1x128x128xf32, #tpu.memory_space<vmem>> -> memref<128x128xf32, #tpu.memory_space<vmem>>
      tpu.wait_dma2 semaphore(%dma_wait3A_253 : memref<!tpu.dma_semaphore, #tpu.memory_space<semaphore_mem>>) src(%dma_wait3A_259 : memref<128x128xf32, #tpu.memory_space<vmem>>) dst(%dma_wait3A_255 : memref<128x128xf32, #tpu.memory_space<hbm>>)
      %dma_wait3A_260 = arith.constant 2 : i32
      %dma_wait3A_261 = arith.constant 2 : i32
      %dma_wait3A_262 = arith.constant 0 : i32
      %dma_wait3A_263 = arith.constant 0 : i32
      %dma_wait3A_264 = tpu.memref_slice %arg6[%dma_wait3A_260, %dma_wait3A_262, %dma_wait3A_263] : memref<5x128x128xf32, #tpu.memory_space<vmem>> -> memref<1x128x128xf32, #tpu.memory_space<vmem>>
      %dma_wait3A_265 = tpu.memref_squeeze %dma_wait3A_264 : memref<1x128x128xf32, #tpu.memory_space<vmem>> -> memref<128x128xf32, #tpu.memory_space<vmem>>
      %dma_wait3A_266 = arith.constant 0 : i32
      %dma_wait3A_267 = tpu.memref_slice %arg4[%add3A_136, %dma_wait3A_266] : memref<16384x128xf32, #tpu.memory_space<hbm>> -> memref<128x128xf32, #tpu.memory_space<hbm>>
      %dma_wait3A_268 = tpu.memref_slice %arg8[%dma_wait3A_261] : memref<5x!tpu.dma_semaphore, #tpu.memory_space<semaphore_mem>> -> memref<1x!tpu.dma_semaphore, #tpu.memory_space<semaphore_mem>>
      %dma_wait3A_269 = tpu.memref_squeeze %dma_wait3A_268 : memref<1x!tpu.dma_semaphore, #tpu.memory_space<semaphore_mem>> -> memref<!tpu.dma_semaphore, #tpu.memory_space<semaphore_mem>>
      %dma_wait3A_270 = arith.constant 0 : i32
      %dma_wait3A_271 = tpu.memref_slice %arg4[%add3A_136, %dma_wait3A_270] : memref<16384x128xf32, #tpu.memory_space<hbm>> -> memref<128x128xf32, #tpu.memory_space<hbm>>
      %dma_wait3A_272 = arith.constant 0 : i32
      %dma_wait3A_273 = arith.constant 0 : i32
      %dma_wait3A_274 = tpu.memref_slice %arg6[%dma_wait3A_260, %dma_wait3A_272, %dma_wait3A_273] : memref<5x128x128xf32, #tpu.memory_space<vmem>> -> memref<1x128x128xf32, #tpu.memory_space<vmem>>
      %dma_wait3A_275 = tpu.memref_squeeze %dma_wait3A_274 : memref<1x128x128xf32, #tpu.memory_space<vmem>> -> memref<128x128xf32, #tpu.memory_space<vmem>>
      tpu.wait_dma2 semaphore(%dma_wait3A_269 : memref<!tpu.dma_semaphore, #tpu.memory_space<semaphore_mem>>) src(%dma_wait3A_275 : memref<128x128xf32, #tpu.memory_space<vmem>>) dst(%dma_wait3A_271 : memref<128x128xf32, #tpu.memory_space<hbm>>)
      %dma_wait3A_276 = arith.constant 3 : i32
      %dma_wait3A_277 = arith.constant 3 : i32
      %dma_wait3A_278 = arith.constant 0 : i32
      %dma_wait3A_279 = arith.constant 0 : i32
      %dma_wait3A_280 = tpu.memref_slice %arg6[%dma_wait3A_276, %dma_wait3A_278, %dma_wait3A_279] : memref<5x128x128xf32, #tpu.memory_space<vmem>> -> memref<1x128x128xf32, #tpu.memory_space<vmem>>
      %dma_wait3A_281 = tpu.memref_squeeze %dma_wait3A_280 : memref<1x128x128xf32, #tpu.memory_space<vmem>> -> memref<128x128xf32, #tpu.memory_space<vmem>>
      %dma_wait3A_282 = arith.constant 0 : i32
      %dma_wait3A_283 = tpu.memref_slice %arg4[%add3A_180, %dma_wait3A_282] : memref<16384x128xf32, #tpu.memory_space<hbm>> -> memref<128x128xf32, #tpu.memory_space<hbm>>
      %dma_wait3A_284 = tpu.memref_slice %arg8[%dma_wait3A_277] : memref<5x!tpu.dma_semaphore, #tpu.memory_space<semaphore_mem>> -> memref<1x!tpu.dma_semaphore, #tpu.memory_space<semaphore_mem>>
      %dma_wait3A_285 = tpu.memref_squeeze %dma_wait3A_284 : memref<1x!tpu.dma_semaphore, #tpu.memory_space<semaphore_mem>> -> memref<!tpu.dma_semaphore, #tpu.memory_space<semaphore_mem>>
      %dma_wait3A_286 = arith.constant 0 : i32
      %dma_wait3A_287 = tpu.memref_slice %arg4[%add3A_180, %dma_wait3A_286] : memref<16384x128xf32, #tpu.memory_space<hbm>> -> memref<128x128xf32, #tpu.memory_space<hbm>>
      %dma_wait3A_288 = arith.constant 0 : i32
      %dma_wait3A_289 = arith.constant 0 : i32
      %dma_wait3A_290 = tpu.memref_slice %arg6[%dma_wait3A_276, %dma_wait3A_288, %dma_wait3A_289] : memref<5x128x128xf32, #tpu.memory_space<vmem>> -> memref<1x128x128xf32, #tpu.memory_space<vmem>>
      %dma_wait3A_291 = tpu.memref_squeeze %dma_wait3A_290 : memref<1x128x128xf32, #tpu.memory_space<vmem>> -> memref<128x128xf32, #tpu.memory_space<vmem>>
      tpu.wait_dma2 semaphore(%dma_wait3A_285 : memref<!tpu.dma_semaphore, #tpu.memory_space<semaphore_mem>>) src(%dma_wait3A_291 : memref<128x128xf32, #tpu.memory_space<vmem>>) dst(%dma_wait3A_287 : memref<128x128xf32, #tpu.memory_space<hbm>>)
      %dma_wait3A_292 = arith.constant 4 : i32
      %dma_wait3A_293 = arith.constant 4 : i32
      %dma_wait3A_294 = arith.constant 0 : i32
      %dma_wait3A_295 = arith.constant 0 : i32
      %dma_wait3A_296 = tpu.memref_slice %arg6[%dma_wait3A_292, %dma_wait3A_294, %dma_wait3A_295] : memref<5x128x128xf32, #tpu.memory_space<vmem>> -> memref<1x32x128xf32, #tpu.memory_space<vmem>>
      %dma_wait3A_297 = tpu.memref_squeeze %dma_wait3A_296 : memref<1x32x128xf32, #tpu.memory_space<vmem>> -> memref<32x128xf32, #tpu.memory_space<vmem>>
      %dma_wait3A_298 = arith.constant 0 : i32
      %dma_wait3A_299 = tpu.memref_slice %arg4[%add3A_211, %dma_wait3A_298] : memref<16384x128xf32, #tpu.memory_space<hbm>> -> memref<32x128xf32, #tpu.memory_space<hbm>>
      %dma_wait3A_300 = tpu.memref_slice %arg8[%dma_wait3A_293] : memref<5x!tpu.dma_semaphore, #tpu.memory_space<semaphore_mem>> -> memref<1x!tpu.dma_semaphore, #tpu.memory_space<semaphore_mem>>
      %dma_wait3A_301 = tpu.memref_squeeze %dma_wait3A_300 : memref<1x!tpu.dma_semaphore, #tpu.memory_space<semaphore_mem>> -> memref<!tpu.dma_semaphore, #tpu.memory_space<semaphore_mem>>
      %dma_wait3A_302 = arith.constant 0 : i32
      %dma_wait3A_303 = tpu.memref_slice %arg4[%add3A_211, %dma_wait3A_302] : memref<16384x128xf32, #tpu.memory_space<hbm>> -> memref<32x128xf32, #tpu.memory_space<hbm>>
      %dma_wait3A_304 = arith.constant 0 : i32
      %dma_wait3A_305 = arith.constant 0 : i32
      %dma_wait3A_306 = tpu.memref_slice %arg6[%dma_wait3A_292, %dma_wait3A_304, %dma_wait3A_305] : memref<5x128x128xf32, #tpu.memory_space<vmem>> -> memref<1x32x128xf32, #tpu.memory_space<vmem>>
      %dma_wait3A_307 = tpu.memref_squeeze %dma_wait3A_306 : memref<1x32x128xf32, #tpu.memory_space<vmem>> -> memref<32x128xf32, #tpu.memory_space<vmem>>
      tpu.wait_dma2 semaphore(%dma_wait3A_301 : memref<!tpu.dma_semaphore, #tpu.memory_space<semaphore_mem>>) src(%dma_wait3A_307 : memref<32x128xf32, #tpu.memory_space<vmem>>) dst(%dma_wait3A_303 : memref<32x128xf32, #tpu.memory_space<hbm>>)
    } else {
    }
    return
  }
}

module attributes {stable_mosaic.version = 14 : i64} {
  func.func @_paper_mm_body(%arg0: i32, %arg1: memref<8192x256xf32, #tpu.memory_space<vmem>>, %arg2: memref<256x128xf32, #tpu.memory_space<vmem>>, %arg3: memref<1x128xf32, #tpu.memory_space<vmem>>, %arg4: memref<8192x128xf32, #tpu.memory_space<vmem>>) attributes {dimension_semantics = [#tpu.dimension_semantics<arbitrary>], iteration_bounds = array<i64: 2>, scalar_prefetch = 0 : i64, scratch_operands = 0 : i64, tpu.core_type = #tpu.core_type<tc>, window_params = [{transform_indices = @transform_0, window_bounds = array<i64: 8192, 256>}, {pipeline_mode = #tpu.pipeline_mode<synchronous>, transform_indices = @transform_1, window_bounds = array<i64: 256, 128>}, {pipeline_mode = #tpu.pipeline_mode<synchronous>, transform_indices = @transform_2, window_bounds = array<i64: 1, 128>}, {transform_indices = @transform_3, window_bounds = array<i64: 8192, 128>}]} {
    %get3A = arith.constant 0 : index
    %get3A_0 = arith.constant 0 : index
    %get3A_1 = vector.load %arg1[%get3A, %get3A_0] : memref<8192x256xf32, #tpu.memory_space<vmem>>, vector<8192x256xf32>
    %get3A_2 = arith.constant 0 : index
    %get3A_3 = arith.constant 0 : index
    %get3A_4 = vector.load %arg2[%get3A_2, %get3A_3] : memref<256x128xf32, #tpu.memory_space<vmem>>, vector<256x128xf32>
    %dot_general3A = arith.constant dense<0.000000e+00> : vector<8192x128xf32>
    %dot_general3A_5 = tpu.matmul %get3A_1, %get3A_4, %dot_general3A {dimension_numbers = #tpu.dot_dimension_numbers<[1], [0], [0], [1], [0, 0, 1, 1], [], []>, transpose_lhs_hint = false} : vector<8192x256xf32>, vector<256x128xf32>, vector<8192x128xf32> -> vector<8192x128xf32>
    %get3A_6 = arith.constant 0 : index
    %get3A_7 = arith.constant 0 : index
    %get3A_8 = vector.load %arg3[%get3A_6, %get3A_7] : memref<1x128xf32, #tpu.memory_space<vmem>>, vector<1x128xf32>
    %add3A = vector.broadcast %get3A_8 : vector<1x128xf32> to vector<8192x128xf32>
    %add3A_9 = arith.addf %dot_general3A_5, %add3A : vector<8192x128xf32>
    %max3A = arith.constant 0.000000e+00 : f32
    %max3A_10 = vector.broadcast %max3A : f32 to vector<8192x128xf32>
    %max3A_11 = arith.maximumf %add3A_9, %max3A_10 : vector<8192x128xf32>
    %swap3A = arith.constant 0 : index
    %swap3A_12 = arith.constant 0 : index
    %swap3A_13 = vector.load %arg4[%swap3A, %swap3A_12] : memref<8192x128xf32, #tpu.memory_space<vmem>>, vector<8192x128xf32>
    tpu.vector_store %arg4[%swap3A, %swap3A_12], %max3A_11 {strides = array<i32>} : memref<8192x128xf32, #tpu.memory_space<vmem>>, vector<8192x128xf32>,
    return
  }
  func.func @transform_0(%arg0: i32) -> (i32, i32) {
    %c0_i32 = arith.constant 0 : i32
    %c0_i32_0 = arith.constant 0 : i32
    return %arg0, %c0_i32 : i32, i32
  }
  func.func @transform_1(%arg0: i32) -> (i32, i32) {
    %c0_i32 = arith.constant 0 : i32
    %c0_i32_0 = arith.constant 0 : i32
    %c0_i32_1 = arith.constant 0 : i32
    return %c0_i32, %c0_i32_0 : i32, i32
  }
  func.func @transform_2(%arg0: i32) -> (i32, i32) {
    %c0_i32 = arith.constant 0 : i32
    %c0_i32_0 = arith.constant 0 : i32
    %c0_i32_1 = arith.constant 0 : i32
    return %c0_i32, %c0_i32_0 : i32, i32
  }
  func.func @transform_3(%arg0: i32) -> (i32, i32) {
    %c0_i32 = arith.constant 0 : i32
    %c0_i32_0 = arith.constant 0 : i32
    return %arg0, %c0_i32 : i32, i32
  }
}

</mosaic_0001>

<sc_bundles>
// kernel: kernel.4.cloned.1.call-start
scs
__scs_entry_jumppad:
0x0: {  	(pc) =	sbr.rel $0x88, $3  }
0x1: {  	(tag) =	ssettag $0x0;
	lr =	simm.s32 $0x1  }
0x2: {  	[smem:$0x3F9C] =	sst lr;
	_ =	strace $0xD0000000  }
0x3: {  	_ = 	snop  }
0x4: {  	_ = 	snop  }
0x5: {  	_ = 	snop  }
0x6: {  	_ = 	snop  }
0x7: {  	_ = 	snop  }
__scs_overlays_trampoline_lowered:
0x8: {  	[smem:$0x3FAB] =	sst s0  }
0x9: {  	[smem:$0x3FAC] =	sst s1  }
0xa: {  	[smem:$0x3FAD] =	sst s2  }
0xb: {  	[smem:$0x3FAE] =	sst s3  }
0xc: {  	[smem:$0x3FAF] =	sst s4  }
0xd: {  	[smem:$0x3FB0] =	sst s5  }
0xe: {  	[smem:$0x3FB1] =	sst s6  }
0xf: {  	[smem:$0x3FB2] =	sst s7  }
0x10: {  	[smem:$0x3FB3] =	sst s8  }
0x11: {  	[smem:$0x3FB4] =	sst s9;
	s0 =	simm.s32 @!p0 $0x0  }
0x12: {  	s1 =	sld [smem:$0x3F9A];
	s0 =	simm.s32 @p0 $0x1  }
0x13: {  	[smem:$0x3FB5] =	sst s0;
	s0 =	simm.s32 @!p1 $0x0  }
0x14: {  	s2 =	sld [smem:$0x3F99];
	s0 =	simm.s32 @p1 $0x1  }
0x15: {  	[smem:$0x3FB6] =	sst s0;
	s0 =	simm.s32 @!p2 $0x0  }
0x16: {  	s3 =	sld [smem:$0x3FDB];
	s0 =	simm.s32 @p2 $0x1  }
0x17: {  	s4 =	simm.s32 $0x1BF5;
	[smem:$0x3FB8] =	sst s0  }
0x18: {  	s0 =	sld [smem:$0x3F9B];
	_ =	swait.ge [sflag:s4], $0x0  }
0x19: {  	s7 =	sld [smem:$0x3F9C]  }
0x1a: {  	s8 =	sadd.s32 $0xFFFFE003, lr  }
0x1b: {  	s9 =	sadd.s32 $0xFFFFFEF7, lr;
	s5 =	simm.s32 $0xFFFFFFFF;
	p2 =	slt.u32 s8, $0xFFFFF086  }
0x1c: {  	p1 =	slt.u32 s9, $0xF7A;
	s5 =	simm.s32 @!p2 $0x0  }
0x1d: {  	s5 =	simm.s32 @p1 $0x1;
	p0 =	seq.s32 s7, s2  }
0x1e: {  	s7 =	smul.u32 @!p0 $0xF7A, s2;
	p2 =	seq.s32 @!p0 s5, $0x0  }
0x1f: {  	s9 =	smul.u32 $0xF7A, s1;
	s8 =	simm.s32 @!p0 $0x1BF5;
	p2 =	por !p2, p0  }
0x20: {  	[sflag:s8] =	ssyncset.s32 @!p0 $0xFFFFF086;
	s6 =	sadd.s32 @!p0 s3, s7;
	s7 =	simm.s32 @!p0 $0x108  }
0x21: {  	s3 =	sadd.s32 s3, s9;
	s6 =	sadd.s32 @!p0 $0x88, s6;
	s7 =	simm.s32 @p2 $0x1082  }
0x22: {  	[simem:s7], [sflag:s8] =	dma.local @!p0 [hbm:s6], $0xF7A  }
0x23: {  	s9 =	sor.u32 $0xD0000000, s2;
	s6 =	simm.s32 $0x108;
	_ =	swait.ge @!p0 [sflag:s8], $0x0  }
0x24: {  	s3 =	sadd.s32 $0x88, s3;
	s6 =	simm.s32 @!p1 $0x1082;
	[sflag:s4] =	ssyncset.s32 $0xFFFFF086  }
0x25: {  	[simem:s6], [sflag:s4] =	dma.local [hbm:s3], $0xF7A  }
0x26: {  	[smem:$0x3F9C] =	sst s1;
	(tag) =	ssettag s2;
	_ =	strace s9  }
0x27: {  	s1 =	sld [smem:$0x3FAC]  }
0x28: {  	s2 =	sld [smem:$0x3FAD]  }
0x29: {  	s4 =	sld [smem:$0x3FAF]  }
0x2a: {  	p0 =	seq.s32 s5, $0x0;
	s5 =	sld [smem:$0x3FB0]  }
0x2b: {  	s6 =	sld [smem:$0x3FB1]  }
0x2c: {  	s7 =	sld [smem:$0x3FB2]  }
0x2d: {  	s3 =	simm.s32 $0x108;
	s8 =	sld [smem:$0x3FB3]  }
0x2e: {  	s3 =	simm.s32 @!p0 $0x1082;
	s9 =	sld [smem:$0x3FB4]  }
0x2f: {  	lr =	sadd.s32 s0, s3;
	s0 =	sld [smem:$0x3FAB]  }
0x30: {  	s3 =	sld [smem:$0x3FAE]  }
0x31: {  	[smem:$0x3FB7] =	sst s10  }
0x32: {  	s10 =	sld [smem:$0x3FB5];
	_ =	sdelay $0x3  }
0x33: {  	p0 =	seq.s32 s10, $0x1;
	s10 =	sld [smem:$0x3FB7];
	_ =	sdelay $0x3  }
0x34: {  	[smem:$0x3FB7] =	sst s10  }
0x35: {  	s10 =	sld [smem:$0x3FB6];
	_ =	sdelay $0x3  }
0x36: {  	p1 =	seq.s32 s10, $0x1;
	s10 =	sld [smem:$0x3FB7];
	_ =	sdelay $0x3  }
0x37: {  	[smem:$0x3FB7] =	sst s10  }
0x38: {  	s10 =	sld [smem:$0x3FB8]  }
0x39: {  	_ = 	snop;
	(pc) =	sbr.ind lr, $3  }
0x3a: {  	_ = 	snop  }
0x3b: {  	_ = 	snop  }
0x3c: {  	p2 =	seq.s32 s10, $0x1;
	s10 =	sld [smem:$0x3FB7]  }
0x3d: {  	_ =	shalt  }
0x3e: {  	_ =	shalt  }
0x3f: {  	_ =	shalt  }
0x40: {  	_ =	shalt  }
0x41: {  	_ =	shalt  }
0x42: {  	_ =	shalt  }
0x43: {  	_ =	shalt  }
0x44: {  	_ =	shalt  }
0x45: {  	_ =	shalt  }
0x46: {  	_ =	shalt  }
0x47: {  	_ =	shalt  }
0x48: {  	_ =	shalt  }
0x49: {  	_ =	shalt  }
0x4a: {  	_ =	shalt  }
0x4b: {  	_ =	shalt  }
0x4c: {  	_ =	shalt  }
0x4d: {  	_ =	shalt  }
0x4e: {  	_ =	shalt  }
0x4f: {  	_ =	shalt  }
0x50: {  	_ =	shalt  }
0x51: {  	_ =	shalt  }
0x52: {  	_ =	shalt  }
0x53: {  	_ =	shalt  }
0x54: {  	_ =	shalt  }
0x55: {  	_ =	shalt  }
0x56: {  	_ =	shalt  }
0x57: {  	_ =	shalt  }
0x58: {  	_ =	shalt  }
0x59: {  	_ =	shalt  }
0x5a: {  	_ =	shalt  }
0x5b: {  	_ =	shalt  }
0x5c: {  	_ =	shalt  }
0x5d: {  	_ =	shalt  }
0x5e: {  	_ =	shalt  }
0x5f: {  	_ =	shalt  }
0x60: {  	_ =	shalt  }
0x61: {  	_ =	shalt  }
0x62: {  	_ =	shalt  }
0x63: {  	_ =	shalt  }
0x64: {  	_ =	shalt  }
0x65: {  	_ =	shalt  }
0x66: {  	_ =	shalt  }
0x67: {  	_ =	shalt  }
0x68: {  	_ =	shalt  }
0x69: {  	_ =	shalt  }
0x6a: {  	_ =	shalt  }
0x6b: {  	_ =	shalt  }
0x6c: {  	_ =	shalt  }
0x6d: {  	_ =	shalt  }
0x6e: {  	_ =	shalt  }
0x6f: {  	_ =	shalt  }
0x70: {  	_ =	shalt  }
0x71: {  	_ =	shalt  }
0x72: {  	_ =	shalt  }
0x73: {  	_ =	shalt  }
0x74: {  	_ =	shalt  }
0x75: {  	_ =	shalt  }
0x76: {  	_ =	shalt  }
0x77: {  	_ =	shalt  }
0x78: {  	_ =	shalt  }
0x79: {  	_ =	shalt  }
0x7a: {  	_ =	shalt  }
0x7b: {  	_ =	shalt  }
0x7c: {  	_ =	shalt  }
0x7d: {  	_ =	shalt  }
0x7e: {  	_ =	shalt  }
0x7f: {  	_ =	shalt  }
0x80: {  	_ =	shalt  }
0x81: {  	_ =	shalt  }
0x82: {  	_ =	shalt  }
0x83: {  	_ =	shalt  }
0x84: {  	_ =	shalt  }
0x85: {  	_ =	shalt  }
0x86: {  	_ =	shalt  }
0x87: {  	_ =	shalt  }
.Lfunc_end0:
.L_simem_size_0:
called_computation_lowered:
.L_overlay_start_0:
0x88: {  	s2 =	sld [smem:$0x3FD9]  }
0x89: {  	s3 =	sld [smem:$0x3FFE];
	_ =	sdelay $0x1  }
0x8a: {  	s1 =	srdreg.scid  }
0x8b: {  	s0 =	sand.u32 $0x1, s1  }
0x8c: {  	s15 =	sshll.u32 s0, $0xA;
	s2 =	sadd.s32 s3, s2  }
0x8d: {  	s2 =	sadd.s32 s2, s15  }
0x8e: {  	[smem:$0x3FC3] =	sst s2  }
0x8f: {  	_ = 	snop  }
0x90: {  	s2 =	sld [smem:$0x3FD0];
	_ =	sdelay $0x1  }
0x91: {  	s16 =	sld [smem:$0x3FC8]  }
0x92: {  	s5 =	simm.s32 $0xA;
	s6 =	simm.s32 $0x10;
	s4 =	sld [smem:$0x3FC7]  }
0x93: {  	[smem:s6], [sflag:s5] =	dma.local [hbm:s2], $0x1  }
0x94: {  	_ =	swait.eq [sflag:s5], $0x1  }
0x95: {  	[sflag:s5] =	ssyncset.done $0x0  }
0x96: {  	[sflag:s5] =	ssyncadd.s32 $0xFFFFFFFF  }
0x97: {  	s17 =	sld [smem:$0x11];
	(tm) =	ssettm $0x1  }
0x98: {  	s18 =	sld [smem:$0x3FFB];
	_ =	sdelay $0x3  }
0x99: {  	_ =	strace s18  }
0x9a: {  	s5 =	sld [smem:$0x3FFC];
	_ =	sdelay $0x3  }
0x9b: {  	_ =	strace s5  }
0x9c: {  	s5 =	sld [smem:$0x3FFD];
	_ =	sdelay $0x3  }
0x9d: {  	_ =	strace s5  }
0x9e: {  	_ =	strace $0x8FFFFFFF  }
0x9f: {  	s19 =	sld [smem:$0x3FDB];
	_ =	sdelay $0x1  }
0xa0: {  	s20 =	simm.s32 $_scs_section_size  }
0xa1: {  	s7 =	simm.s32 $_size__tile_overlayer_lowered;
	s8 =	simm.s32 $_tile_overlayer_lowered  }
0xa2: {  	s23 =	simm.s32 $0x1BFF;
	s22 =	sshll.u32 s8, $0x1;
	s5 =	sadd.s32 s20, s19  }
0xa3: {  	s9 =	simm.s32 $0x0;
	s21 =	sshll.u32 s7, $0x1;
	s7 =	sadd.s32 s22, s5  }
0xa4: {  	[timem:s9], [sflag:s23] =	dma.local [hbm:s7], s21  }
0xa5: {  	_ =	swait.ge [sflag:s23], s21  }
0xa6: {  	s6 =	ssub.s32 $0x0, s21;
	[sflag:s23] =	ssyncset.done $0x0  }
0xa7: {  	[sflag:s23] =	ssyncadd.s32 s6;
	_ =	sdelay $0x1  }
0xa8: {  	s24 =	simm.s32 $0x1B8B  }
0xa9: {  	_ =	swait.ge [sflag:s24], $0x1  }
0xaa: {  	[sflag:s24] =	ssyncset.done $0x0  }
0xab: {  	s25 =	simm.s32 $0x1B8E;
	[sflag:s24] =	ssyncadd.s32 $0xFFFFFFFF  }
0xac: {  	s26 =	simm.s32 $execute0_lowered;
	[smem:$0x3FD2] =	sst s25  }
0xad: {  	s6 =	sshll.u32 s26, $0x1;
	_ =	strace $0x80000046;
	[dreg:$0x1] =	wrdreg $0xFFFFFFFF  }
0xae: {  	s28 =	simm.s32 $_size_execute0_lowered;
	s5 =	sadd.s32 s5, s6;
	[dreg:$0x0] =	wrdreg $0x0  }
0xaf: {  	s6 =	sshll.u32 s28, $0x1;
	[dreg:$0x2] =	wrdreg s5  }
0xb0: {  	[dreg:$0x3] =	wrdreg s6  }
0xb1: {  	[dreg:$0x4] =	wrdreg $0xC0  }
0xb2: {  	_ =	task [dreg:s9], $0x5FFFF  }
0xb3: {  	[dreg:$0x1] =	wrdreg $0xFFFFFFFF  }
0xb4: {  	[dreg:$0x0] =	wrdreg $0x60  }
0xb5: {  	[dreg:$0x2] =	wrdreg s16  }
0xb6: {  	[dreg:$0x3] =	wrdreg s4  }
0xb7: {  	[dreg:$0x4] =	wrdreg s17  }
0xb8: {  	[dreg:$0x5] =	wrdreg $0x9  }
0xb9: {  	_ =	task.clear_ibuf [dreg:s9], $0x6FFFF;
	_ =	strace $0x90000046  }
0xba: {  	s29 =	simm.s32 $0x9;
	_ =	strace $0x80000048  }
0xbb: {  	_ =	swait.ge [sflag:s29], $0x1  }
0xbc: {  	[sflag:s29] =	ssyncadd.s32 $0xFFFFFFFF  }
0xbd: {  	_ =	strace $0x90000048  }
0xbe: {  	_ =	sfence  }
0xbf: {  	s30 =	sld [smem:$0x0];
	_ =	sdelay $0x2  }
0xc0: {  	s31 =	sshll.u32 s1, $0xD;
	s1 =	sshrl.u32 s1, $0x2  }
0xc1: {  	s3 =	sand.u32 $0x4000, s31;
	s1 =	sadd.s32 s1, s30  }
0xc2: {  	s0 =	sor.u32 s3, s0;
	s1 =	sshll.u32 s1, $0x11  }
0xc3: {  	s0 =	sor.u32 s1, s0  }
0xc4: {  	s0 =	sadd.s32 $0x8F2B, s0  }
0xc5: {  	[sflag:s0] =	ssyncadd.remote.s32 $0x1  }
0xc6: {  	_ =	sfence.sel $0xFFFF  }
0xc7: {  	[dreg:$0x0] =	wrdreg $0xFFFFFFFF;
	(pc) =	sbr.abs _section_cstart, $3  }
0xc8: {  	[dreg:$0x1] =	wrdreg $0xFFFFFFFF  }
0xc9: {  	_ =	task.clear_ibuf [dreg:s9], $0x2FFFF;
	_ =	strace $0x9FFFFFFF  }
0xca: {  	(tm) =	ssettm $0x7FFFFFFF  }
0xcb: {  	_ =	shalt  }
tec
execute0_lowered:
.L_overlay_start_1:
0x0: {  	(tag) =	ssettag $0x1  }
0x1: {  	s0 =	rddreg [dreg:$0x0]  }
0x2: {  	s1 =	srdreg.scid;
	s2 =	rddreg [dreg:$0x1]  }
0x3: {  	s9 =	stileid.u32;
	s4 =	rddreg [dreg:$0x2]  }
0x4: {  	s10 =	rddreg [dreg:$0x3];
	s11 =	simm.s32 $0x0;
	s30 =	simm.s32 $0x280  }
0x5: {  	s31 =	simm.s32 $0x4280;
	s1 =	sand.u32 $0x1, s1;
	s5 =	sshll.u32 s9, $0xA  }
0x6: {  	[smem:$0x7FF] =	sst s11;
	s6 =	sshll.u32 s9, $0xE;
	s22 =	sadd.s32 $0x1000, s4  }
0x7: {  	s7 =	sadd.s32 $0x1800, s4;
	s3 =	smul.u32 $0x1E0, s1;
	_ =	strace $0x80000047  }
0x8: {  	s8 =	sadd.s32 s4, s6;
	s23 =	sadd.s32 s6, s22;
	[dreg:$0xc] =	wrdreg s30  }
0x9: {  	s24 =	ssub.s32 $0x2, s1;
	[dreg:$0xd] =	wrdreg s31;
	s3 =	sor.u32 s3, s5  }
0xa: {  	s26 =	sshrl.u32 s24, $0x1;
	s5 =	sshrl.u32 s3, $0x3;
	s3 =	sshll.u32 s3, $0x4  }
0xb: {  	s0 =	sadd.s32 s0, s5;
	s5 =	sadd.s32 s4, s3;
	s25 =	sadd.s32 s3, s7  }
0xc: {  	[dreg:$0x4] =	wrdreg s0;
	s0 =	sadd.s32 s3, s22;
	s3 =	ssub.s32 s24, s26  }
0xd: {  	s6 =	sadd.s32 s6, s7;
	[dreg:$0x6] =	wrdreg s23;
	s29 =	smax.u32 s3, $0x1  }
0xe: {  	s21 =	sadd.s32 $0x800, s8;
	[dreg:$0x7] =	wrdreg s6;
	s3 =	sadd.s32 $0xFFFFFFFF, s29  }
0xf: {  	[dreg:$0x5] =	wrdreg s21;
	p2 =	sne.s32 s3, $0x0  }
.Ltmp0:
0x10: {  	s4 =	sadd.s32 $0x800, s5;
	[dreg:$0xa] =	wrdreg s25;
	(pc) =	sbr.rel @!p2 .LBB2_1-.Ltmp0, $4  }
0x11: {  	[dreg:$0x8] =	wrdreg s4  }
0x12: {  	s12 =	simm.s32 $0x80;
	s28 =	sadd.s32 $0x2000, s5;
	[dreg:$0x9] =	wrdreg s0  }
0x13: {  	p1 =	por $0x0, $0x0;
	p0 =	seq.s32 s1, $0x1;
	[dreg:$0xb] =	wrdreg s28  }
0x14: {  	s6 =	simm.s32 $0xB;
	s7 =	simm.s32 $0x1;
	s4 =	rddreg [dreg:$0x4]  }
0x15: {  	[tilespmem:s11], [sflag:$0xB] =	stream.linear.gather [hbm4b:s4+s11], $0x220, $0x38;
	[tilespmem:$0x14280] =	vst v63  }
0x16: {  	_ =	swait.ge [sflag:s6], $0x220  }
0x17: {  	[sflag:s6] =	ssyncset.done $0x0  }
0x18: {  	s0 =	rddreg [dreg:$0xc];
	[sflag:s6] =	ssyncadd.s32 $0xFFFFFDE0  }
0x19: {  	[tilespmem:s0], [sflag:$0x1] =	stream.indirect.gather [hbm4b:s2+s12], $0x80, s11, s12, $0xb8;
	[tilespmem:$0x14280] =	vst v63  }
0x1a: {  	s1 =	rddreg [dreg:$0xd]  }
0x1b: {  	[tilespmem:s1], [sflag:$0x2] =	stream.indirect.gather [hbm4b:s2+s12], $0x80, s12, s12, $0xb8;
	[tilespmem:$0x14280] =	vst v63  }
0x1c: {  	_ =	swait.ge [sflag:s7], $0x4000  }
0x1d: {  	s9 =	simm.s32 @p0 $0x2;
	[sflag:s7] =	ssyncset.done $0x0  }
0x1e: {  	s10 =	simm.s32 @p0 $0x0;
	s0 =	simm.s32 @p0 $0x280;
	[sflag:s7] =	ssyncadd.s32 $0xFFFFC000  }
0x1f: {  	[hbm4b:s5+s10] =	stream.linear.scatter @p0 [tilespmem:s0], [sflag:$0x6], $0x4000, $0x38;
	[tilespmem:$0x14280] =	vst v63  }
0x20: {  	s4 =	simm.s32 @p0 $0x8280;
	s1 =	simm.s32 @p0 $0x80;
	s0 =	simm.s32 @p0 $0x100  }
0x21: {  	[tilespmem:s4], [sflag:$0x3] =	stream.indirect.gather @p0 [hbm4b:s2+s1], $0x80, s0, s1, $0xb8;
	[tilespmem:$0x14280] =	vst v63  }
0x22: {  	_ =	swait.ge @p0 [sflag:s9], $0x4000  }
0x23: {  	[sflag:s9] =	ssyncset.done @p0 $0x0  }
0x24: {  	s11 =	simm.s32 @p0 $0x4280;
	s0 =	rddreg [dreg:$0x8];
	[sflag:s9] =	ssyncadd.s32 @p0 $0xFFFFC000  }
0x25: {  	[hbm4b:s0+s10] =	stream.linear.scatter @p0 [tilespmem:s11], [sflag:$0x7], $0x4000, $0x38;
	[tilespmem:$0x14280] =	vst v63  }
0x26: {  	s18 =	simm.s32 @p0 $0x3;
	s0 =	simm.s32 @p0 $0x180;
	s11 =	simm.s32 @p0 $0xC280  }
0x27: {  	[tilespmem:s11], [sflag:$0x4] =	stream.indirect.gather @p0 [hbm4b:s2+s1], $0x80, s0, s1, $0xb8;
	[tilespmem:$0x14280] =	vst v63  }
0x28: {  	_ =	swait.ge @p0 [sflag:s18], $0x4000  }
0x29: {  	[sflag:s18] =	ssyncset.done @p0 $0x0  }
0x2a: {  	s19 =	simm.s32 @p0 $0x4;
	s0 =	rddreg [dreg:$0x9];
	[sflag:s18] =	ssyncadd.s32 @p0 $0xFFFFC000  }
0x2b: {  	[hbm4b:s0+s10] =	stream.linear.scatter @p0 [tilespmem:s4], [sflag:$0x8], $0x4000, $0x38;
	[tilespmem:$0x14280] =	vst v63  }
0x2c: {  	s1 =	simm.s32 @p0 $0x200;
	s0 =	simm.s32 @p0 $0x20;
	s4 =	simm.s32 @p0 $0x10280  }
0x2d: {  	[tilespmem:s4], [sflag:$0x5] =	stream.indirect.gather @p0 [hbm4b:s2+s0], $0x80, s1, s0, $0xb8;
	[tilespmem:$0x14280] =	vst v63  }
0x2e: {  	_ =	swait.ge @p0 [sflag:s19], $0x4000  }
0x2f: {  	[sflag:s19] =	ssyncset.done @p0 $0x0  }
0x30: {  	s23 =	simm.s32 @p0 $0x5;
	s0 =	rddreg [dreg:$0xa];
	[sflag:s19] =	ssyncadd.s32 @p0 $0xFFFFC000  }
0x31: {  	[hbm4b:s0+s10] =	stream.linear.scatter @p0 [tilespmem:s11], [sflag:$0x9], $0x4000, $0x38;
	[tilespmem:$0x14280] =	vst v63  }
0x32: {  	_ =	swait.ge @p0 [sflag:s23], $0x1000  }
0x33: {  	[sflag:s23] =	ssyncset.done @p0 $0x0  }
0x34: {  	s24 =	simm.s32 @p0 $0x6;
	s0 =	rddreg [dreg:$0xb];
	[sflag:s23] =	ssyncadd.s32 @p0 $0xFFFFF000  }
0x35: {  	[hbm4b:s0+s10] =	stream.linear.scatter @p0 [tilespmem:s4], [sflag:$0xA], $0x1000, $0x38;
	[tilespmem:$0x14280] =	vst v63  }
0x36: {  	_ =	swait.ge @p0 [sflag:s24], $0x4000  }
0x37: {  	[sflag:s24] =	ssyncset.done @p0 $0x0  }
0x38: {  	s25 =	simm.s32 @p0 $0x7;
	[sflag:s24] =	ssyncadd.s32 @p0 $0xFFFFC000  }
0x39: {  	_ =	swait.ge @p0 [sflag:s25], $0x4000  }
0x3a: {  	[sflag:s25] =	ssyncset.done @p0 $0x0  }
0x3b: {  	s26 =	simm.s32 @p0 $0x8;
	[sflag:s25] =	ssyncadd.s32 @p0 $0xFFFFC000  }
0x3c: {  	_ =	swait.ge @p0 [sflag:s26], $0x4000  }
0x3d: {  	[sflag:s26] =	ssyncset.done @p0 $0x0  }
0x3e: {  	s28 =	simm.s32 @p0 $0x9;
	[sflag:s26] =	ssyncadd.s32 @p0 $0xFFFFC000  }
0x3f: {  	_ =	swait.ge @p0 [sflag:s28], $0x4000  }
0x40: {  	[sflag:s28] =	ssyncset.done @p0 $0x0  }
0x41: {  	s29 =	simm.s32 @p0 $0xA;
	[sflag:s28] =	ssyncadd.s32 @p0 $0xFFFFC000  }
0x42: {  	_ =	swait.ge @p0 [sflag:s29], $0x1000  }
0x43: {  	s30 =	simm.s32 @!p0 $0x0;
	s13 =	simm.s32 @!p0 $0x2;
	[sflag:s29] =	ssyncset.done @p0 $0x0  }
0x44: {  	s1 =	simm.s32 @!p0 $0x100;
	s0 =	simm.s32 @!p0 $0x280;
	[sflag:s29] =	ssyncadd.s32 @p0 $0xFFFFF000  }
0x45: {  	[hbm4b:s8+s30] =	stream.linear.scatter @!p0 [tilespmem:s0], [sflag:$0x6], $0x4000, $0x38;
	[tilespmem:$0x14280] =	vst v63  }
0x46: {  	[dreg:$0xe] =	wrdreg s8;
	s0 =	simm.s32 @!p0 $0x80;
	s8 =	simm.s32 @!p0 $0x8280  }
0x47: {  	[tilespmem:s8], [sflag:$0x3] =	stream.indirect.gather @!p0 [hbm4b:s2+s0], $0x80, s1, s0, $0xb8;
	[tilespmem:$0x14280] =	vst v63  }
0x48: {  	_ =	swait.ge @!p0 [sflag:s13], $0x4000  }
0x49: {  	s21 =	simm.s32 @!p0 $0xC280;
	[sflag:s13] =	ssyncset.done @!p0 $0x0  }
0x4a: {  	s1 =	simm.s32 @!p0 $0x4280;
	s0 =	rddreg [dreg:$0x5];
	[sflag:s13] =	ssyncadd.s32 @!p0 $0xFFFFC000  }
0x4b: {  	[hbm4b:s0+s30] =	stream.linear.scatter @!p0 [tilespmem:s1], [sflag:$0x7], $0x4000, $0x38;
	[tilespmem:$0x14280] =	vst v63  }
0x4c: {  	s31 =	simm.s32 @!p0 $0x3;
	s0 =	simm.s32 @!p0 $0x60;
	s1 =	simm.s32 @!p0 $0x180  }
0x4d: {  	[tilespmem:s21], [sflag:$0x4] =	stream.indirect.gather @!p0 [hbm4b:s2+s0], $0x80, s1, s0, $0xb8;
	[tilespmem:$0x14280] =	vst v63  }
0x4e: {  	_ =	swait.ge @!p0 [sflag:s31], $0x4000  }
0x4f: {  	[sflag:s31] =	ssyncset.done @!p0 $0x0  }
0x50: {  	s1 =	simm.s32 @!p0 $0x4;
	s0 =	rddreg [dreg:$0x6];
	[sflag:s31] =	ssyncadd.s32 @!p0 $0xFFFFC000  }
0x51: {  	[hbm4b:s0+s30] =	stream.linear.scatter @!p0 [tilespmem:s8], [sflag:$0x8], $0x4000, $0x38;
	[tilespmem:$0x14280] =	vst v63  }
0x52: {  	_ =	swait.ge @!p0 [sflag:s1], $0x3000  }
0x53: {  	[sflag:s1] =	ssyncset.done @!p0 $0x0  }
0x54: {  	s0 =	rddreg [dreg:$0x7];
	[sflag:s1] =	ssyncadd.s32 @!p0 $0xFFFFD000  }
0x55: {  	[hbm4b:s0+s30] =	stream.linear.scatter @!p0 [tilespmem:s21], [sflag:$0x9], $0x3000, $0x38;
	[tilespmem:$0x14280] =	vst v63  }
0x56: {  	s0 =	simm.s32 @!p0 $0x6  }
0x57: {  	_ =	swait.ge @!p0 [sflag:s0], $0x4000  }
0x58: {  	[sflag:s0] =	ssyncset.done @!p0 $0x0  }
0x59: {  	s15 =	simm.s32 @!p0 $0x7;
	[sflag:s0] =	ssyncadd.s32 @!p0 $0xFFFFC000  }
0x5a: {  	_ =	swait.ge @!p0 [sflag:s15], $0x4000  }
0x5b: {  	s3 =	sadd.s32 $0xFFFFFFFF, s3;
	[sflag:s15] =	ssyncset.done @!p0 $0x0  }
0x5c: {  	s20 =	simm.s32 @!p0 $0x8;
	p2 =	sne.s32 s3, $0x0;
	[sflag:s15] =	ssyncadd.s32 @!p0 $0xFFFFC000  }
.Ltmp1:
0x5d: {  	_ =	swait.ge @!p0 [sflag:s20], $0x4000;
	(pc) =	sbr.rel @!p2 .LBB2_3-.Ltmp1, $4  }
0x5e: {  	[sflag:s20] =	ssyncset.done @!p0 $0x0  }
0x5f: {  	s16 =	simm.s32 @!p0 $0x9;
	[sflag:s20] =	ssyncadd.s32 @!p0 $0xFFFFC000  }
0x60: {  	s17 =	simm.s32 $0x80;
	p1 =	por $0x1, $0x1;
	_ =	swait.ge @!p0 [sflag:s16], $0x3000  }
0x61: {  	s12 =	simm.s32 $0x0;
	[sflag:s16] =	ssyncset.done @!p0 $0x0;
	s4 =	rddreg [dreg:$0x4]  }
.LBB2_4:
0x62: {  	[sflag:s16] =	ssyncadd.s32 @!p0 $0xFFFFD000  }
0x63: {  	[tilespmem:s12], [sflag:$0xB] =	stream.linear.gather [hbm4b:s4+s12], $0x220, $0x38;
	[tilespmem:$0x14280] =	vst v63  }
0x64: {  	_ =	swait.ge [sflag:s6], $0x220  }
0x65: {  	[sflag:s6] =	ssyncset.done $0x0  }
0x66: {  	s11 =	rddreg [dreg:$0xc];
	[sflag:s6] =	ssyncadd.s32 $0xFFFFFDE0  }
0x67: {  	[tilespmem:s11], [sflag:$0x1] =	stream.indirect.gather [hbm4b:s2+s17], $0x80, s12, s17, $0xb8;
	[tilespmem:$0x14280] =	vst v63  }
0x68: {  	s22 =	rddreg [dreg:$0xd]  }
0x69: {  	[tilespmem:s22], [sflag:$0x2] =	stream.indirect.gather [hbm4b:s2+s17], $0x80, s17, s17, $0xb8;
	[tilespmem:$0x14280] =	vst v63  }
0x6a: {  	_ =	swait.ge [sflag:s7], $0x4000  }
0x6b: {  	s14 =	smov.u32 s5;
	[sflag:s7] =	ssyncset.done $0x0  }
0x6c: {  	s5 =	smov.u32 s14;
	s4 =	simm.s32 @p0 $0x280;
	[sflag:s7] =	ssyncadd.s32 $0xFFFFC000  }
0x6d: {  	[hbm4b:s14+s10] =	stream.linear.scatter @p0 [tilespmem:s4], [sflag:$0x6], $0x4000, $0x38;
	[tilespmem:$0x14280] =	vst v63  }
0x6e: {  	s22 =	simm.s32 @p0 $0x8280;
	s4 =	simm.s32 @p0 $0x100;
	s14 =	simm.s32 @p0 $0x80  }
0x6f: {  	[tilespmem:s22], [sflag:$0x3] =	stream.indirect.gather @p0 [hbm4b:s2+s14], $0x80, s4, s14, $0xb8;
	[tilespmem:$0x14280] =	vst v63  }
0x70: {  	_ =	swait.ge @p0 [sflag:s9], $0x4000  }
0x71: {  	[sflag:s9] =	ssyncset.done @p0 $0x0  }
0x72: {  	s11 =	simm.s32 @p0 $0x4280;
	s4 =	rddreg [dreg:$0x8];
	[sflag:s9] =	ssyncadd.s32 @p0 $0xFFFFC000  }
0x73: {  	[hbm4b:s4+s10] =	stream.linear.scatter @p0 [tilespmem:s11], [sflag:$0x7], $0x4000, $0x38;
	[tilespmem:$0x14280] =	vst v63  }
0x74: {  	s4 =	simm.s32 @p0 $0x180;
	s11 =	simm.s32 @p0 $0xC280  }
0x75: {  	[tilespmem:s11], [sflag:$0x4] =	stream.indirect.gather @p0 [hbm4b:s2+s14], $0x80, s4, s14, $0xb8;
	[tilespmem:$0x14280] =	vst v63  }
0x76: {  	_ =	swait.ge @p0 [sflag:s18], $0x4000  }
0x77: {  	[sflag:s18] =	ssyncset.done @p0 $0x0  }
0x78: {  	s4 =	rddreg [dreg:$0x9];
	[sflag:s18] =	ssyncadd.s32 @p0 $0xFFFFC000  }
0x79: {  	[hbm4b:s4+s10] =	stream.linear.scatter @p0 [tilespmem:s22], [sflag:$0x8], $0x4000, $0x38;
	[tilespmem:$0x14280] =	vst v63  }
0x7a: {  	s14 =	simm.s32 @p0 $0x200;
	s4 =	simm.s32 @p0 $0x20;
	s22 =	simm.s32 @p0 $0x10280  }
0x7b: {  	[tilespmem:s22], [sflag:$0x5] =	stream.indirect.gather @p0 [hbm4b:s2+s4], $0x80, s14, s4, $0xb8;
	[tilespmem:$0x14280] =	vst v63  }
0x7c: {  	_ =	swait.ge @p0 [sflag:s19], $0x4000  }
0x7d: {  	[sflag:s19] =	ssyncset.done @p0 $0x0  }
0x7e: {  	s4 =	rddreg [dreg:$0xa];
	[sflag:s19] =	ssyncadd.s32 @p0 $0xFFFFC000  }
0x7f: {  	[hbm4b:s4+s10] =	stream.linear.scatter @p0 [tilespmem:s11], [sflag:$0x9], $0x4000, $0x38;
	[tilespmem:$0x14280] =	vst v63  }
0x80: {  	_ =	swait.ge @p0 [sflag:s23], $0x1000  }
0x81: {  	[sflag:s23] =	ssyncset.done @p0 $0x0  }
0x82: {  	s4 =	rddreg [dreg:$0xb];
	[sflag:s23] =	ssyncadd.s32 @p0 $0xFFFFF000  }
0x83: {  	[hbm4b:s4+s10] =	stream.linear.scatter @p0 [tilespmem:s22], [sflag:$0xA], $0x1000, $0x38;
	[tilespmem:$0x14280] =	vst v63  }
0x84: {  	_ =	swait.ge @p0 [sflag:s24], $0x4000  }
0x85: {  	[sflag:s24] =	ssyncset.done @p0 $0x0  }
0x86: {  	[sflag:s24] =	ssyncadd.s32 @p0 $0xFFFFC000  }
0x87: {  	_ =	swait.ge @p0 [sflag:s25], $0x4000  }
0x88: {  	[sflag:s25] =	ssyncset.done @p0 $0x0  }
0x89: {  	[sflag:s25] =	ssyncadd.s32 @p0 $0xFFFFC000  }
0x8a: {  	_ =	swait.ge @p0 [sflag:s26], $0x4000  }
0x8b: {  	[sflag:s26] =	ssyncset.done @p0 $0x0  }
0x8c: {  	[sflag:s26] =	ssyncadd.s32 @p0 $0xFFFFC000  }
0x8d: {  	_ =	swait.ge @p0 [sflag:s28], $0x4000  }
0x8e: {  	[sflag:s28] =	ssyncset.done @p0 $0x0  }
0x8f: {  	[sflag:s28] =	ssyncadd.s32 @p0 $0xFFFFC000  }
0x90: {  	_ =	swait.ge @p0 [sflag:s29], $0x1000  }
0x91: {  	[sflag:s29] =	ssyncset.done @p0 $0x0  }
0x92: {  	s4 =	simm.s32 @!p0 $0x280;
	s11 =	rddreg [dreg:$0xe];
	[sflag:s29] =	ssyncadd.s32 @p0 $0xFFFFF000  }
0x93: {  	[hbm4b:s11+s30] =	stream.linear.scatter @!p0 [tilespmem:s4], [sflag:$0x6], $0x4000, $0x38;
	[tilespmem:$0x14280] =	vst v63  }
0x94: {  	s4 =	simm.s32 @!p0 $0x80;
	s11 =	simm.s32 @!p0 $0x100  }
0x95: {  	[tilespmem:s8], [sflag:$0x3] =	stream.indirect.gather @!p0 [hbm4b:s2+s4], $0x80, s11, s4, $0xb8;
	[tilespmem:$0x14280] =	vst v63  }
0x96: {  	_ =	swait.ge @!p0 [sflag:s13], $0x4000  }
0x97: {  	[sflag:s13] =	ssyncset.done @!p0 $0x0  }
0x98: {  	s11 =	simm.s32 @!p0 $0x4280;
	s4 =	rddreg [dreg:$0x5];
	[sflag:s13] =	ssyncadd.s32 @!p0 $0xFFFFC000  }
0x99: {  	[hbm4b:s4+s30] =	stream.linear.scatter @!p0 [tilespmem:s11], [sflag:$0x7], $0x4000, $0x38;
	[tilespmem:$0x14280] =	vst v63  }
0x9a: {  	s4 =	simm.s32 @!p0 $0x60;
	s11 =	simm.s32 @!p0 $0x180  }
0x9b: {  	[tilespmem:s21], [sflag:$0x4] =	stream.indirect.gather @!p0 [hbm4b:s2+s4], $0x80, s11, s4, $0xb8;
	[tilespmem:$0x14280] =	vst v63  }
0x9c: {  	_ =	swait.ge @!p0 [sflag:s31], $0x4000  }
0x9d: {  	[sflag:s31] =	ssyncset.done @!p0 $0x0  }
0x9e: {  	s4 =	rddreg [dreg:$0x6];
	[sflag:s31] =	ssyncadd.s32 @!p0 $0xFFFFC000  }
0x9f: {  	[hbm4b:s4+s30] =	stream.linear.scatter @!p0 [tilespmem:s8], [sflag:$0x8], $0x4000, $0x38;
	[tilespmem:$0x14280] =	vst v63  }
0xa0: {  	_ =	swait.ge @!p0 [sflag:s1], $0x3000  }
0xa1: {  	[sflag:s1] =	ssyncset.done @!p0 $0x0  }
0xa2: {  	s4 =	rddreg [dreg:$0x7];
	[sflag:s1] =	ssyncadd.s32 @!p0 $0xFFFFD000  }
0xa3: {  	[hbm4b:s4+s30] =	stream.linear.scatter @!p0 [tilespmem:s21], [sflag:$0x9], $0x3000, $0x38;
	[tilespmem:$0x14280] =	vst v63  }
0xa4: {  	_ =	swait.ge @!p0 [sflag:s0], $0x4000  }
0xa5: {  	[sflag:s0] =	ssyncset.done @!p0 $0x0  }
0xa6: {  	[sflag:s0] =	ssyncadd.s32 @!p0 $0xFFFFC000  }
0xa7: {  	_ =	swait.ge @!p0 [sflag:s15], $0x4000  }
0xa8: {  	s3 =	sadd.s32 $0xFFFFFFFF, s3;
	[sflag:s15] =	ssyncset.done @!p0 $0x0  }
0xa9: {  	p2 =	sne.s32 s3, $0x0;
	[sflag:s15] =	ssyncadd.s32 @!p0 $0xFFFFC000  }
.Ltmp2:
0xaa: {  	_ =	swait.ge @!p0 [sflag:s20], $0x4000;
	(pc) =	sbr.rel @p2 .LBB2_4-.Ltmp2, $4  }
0xab: {  	[sflag:s20] =	ssyncset.done @!p0 $0x0  }
0xac: {  	[sflag:s20] =	ssyncadd.s32 @!p0 $0xFFFFC000  }
0xad: {  	_ =	swait.ge @!p0 [sflag:s16], $0x3000  }
0xae: {  	s4 =	rddreg [dreg:$0x4];
	[sflag:s16] =	ssyncset.done @!p0 $0x0  }
0xaf: {  	s9 =	stileid.u32;
	s10 =	rddreg [dreg:$0x3]  }
0xb0: {  	s8 =	rddreg [dreg:$0xe];
	s11 =	simm.s32 $0x0;
	s12 =	simm.s32 $0x80  }
.LBB2_6:
0xb1: {  	p1 =	por p0, !p1  }
0xb2: {  	[sflag:s16] =	ssyncadd.s32 @!p1 $0xFFFFD000  }
0xb3: {  	[tilespmem:s11], [sflag:$0xB] =	stream.linear.gather [hbm4b:s4+s11], $0x220, $0x38;
	[tilespmem:$0x14280] =	vst v63  }
0xb4: {  	_ =	swait.ge [sflag:s6], $0x220  }
0xb5: {  	[sflag:s6] =	ssyncset.done $0x0  }
0xb6: {  	s0 =	rddreg [dreg:$0xc];
	[sflag:s6] =	ssyncadd.s32 $0xFFFFFDE0  }
0xb7: {  	[tilespmem:s0], [sflag:$0x1] =	stream.indirect.gather [hbm4b:s2+s12], $0x80, s11, s12, $0xb8;
	[tilespmem:$0x14280] =	vst v63  }
0xb8: {  	s1 =	rddreg [dreg:$0xd]  }
0xb9: {  	[tilespmem:s1], [sflag:$0x2] =	stream.indirect.gather [hbm4b:s2+s12], $0x80, s12, s12, $0xb8;
	[tilespmem:$0x14280] =	vst v63  }
0xba: {  	_ =	swait.ge [sflag:s7], $0x4000  }
0xbb: {  	s3 =	simm.s32 @p0 $0x280;
	[sflag:s7] =	ssyncset.done $0x0  }
0xbc: {  	s4 =	simm.s32 @p0 $0x100;
	s1 =	simm.s32 @p0 $0x0;
	[sflag:s7] =	ssyncadd.s32 $0xFFFFC000  }
0xbd: {  	[hbm4b:s5+s1] =	stream.linear.scatter @p0 [tilespmem:s3], [sflag:$0x6], $0x4000, $0x38;
	[tilespmem:$0x14280] =	vst v63  }
0xbe: {  	s0 =	simm.s32 @p0 $0x2;
	s3 =	simm.s32 @p0 $0x80;
	s5 =	simm.s32 @p0 $0x8280  }
0xbf: {  	[tilespmem:s5], [sflag:$0x3] =	stream.indirect.gather @p0 [hbm4b:s2+s3], $0x80, s4, s3, $0xb8;
	[tilespmem:$0x14280] =	vst v63  }
0xc0: {  	_ =	swait.ge @p0 [sflag:s0], $0x4000  }
0xc1: {  	[sflag:s0] =	ssyncset.done @p0 $0x0  }
0xc2: {  	s4 =	rddreg [dreg:$0x8];
	[sflag:s0] =	ssyncadd.s32 @p0 $0xFFFFC000;
	s0 =	simm.s32 @p0 $0x4280  }
0xc3: {  	[hbm4b:s4+s1] =	stream.linear.scatter @p0 [tilespmem:s0], [sflag:$0x7], $0x4000, $0x38;
	[tilespmem:$0x14280] =	vst v63  }
0xc4: {  	s6 =	simm.s32 @p0 $0x3;
	s0 =	simm.s32 @p0 $0x180;
	s4 =	simm.s32 @p0 $0xC280  }
0xc5: {  	[tilespmem:s4], [sflag:$0x4] =	stream.indirect.gather @p0 [hbm4b:s2+s3], $0x80, s0, s3, $0xb8;
	[tilespmem:$0x14280] =	vst v63  }
0xc6: {  	_ =	swait.ge @p0 [sflag:s6], $0x4000  }
0xc7: {  	[sflag:s6] =	ssyncset.done @p0 $0x0  }
0xc8: {  	s3 =	simm.s32 @p0 $0x4;
	s0 =	rddreg [dreg:$0x9];
	[sflag:s6] =	ssyncadd.s32 @p0 $0xFFFFC000  }
0xc9: {  	[hbm4b:s0+s1] =	stream.linear.scatter @p0 [tilespmem:s5], [sflag:$0x8], $0x4000, $0x38;
	[tilespmem:$0x14280] =	vst v63  }
0xca: {  	s6 =	simm.s32 @p0 $0x10280;
	s0 =	simm.s32 @p0 $0x20;
	s5 =	simm.s32 @p0 $0x200  }
0xcb: {  	[tilespmem:s6], [sflag:$0x5] =	stream.indirect.gather @p0 [hbm4b:s2+s0], $0x80, s5, s0, $0xb8;
	[tilespmem:$0x14280] =	vst v63  }
0xcc: {  	_ =	swait.ge @p0 [sflag:s3], $0x4000  }
0xcd: {  	[sflag:s3] =	ssyncset.done @p0 $0x0  }
0xce: {  	s0 =	rddreg [dreg:$0xa];
	[sflag:s3] =	ssyncadd.s32 @p0 $0xFFFFC000;
	s3 =	simm.s32 @p0 $0x5  }
0xcf: {  	[hbm4b:s0+s1] =	stream.linear.scatter @p0 [tilespmem:s4], [sflag:$0x9], $0x4000, $0x38;
	[tilespmem:$0x14280] =	vst v63  }
0xd0: {  	_ =	swait.ge @p0 [sflag:s3], $0x1000  }
0xd1: {  	[sflag:s3] =	ssyncset.done @p0 $0x0  }
0xd2: {  	s0 =	rddreg [dreg:$0xb];
	[sflag:s3] =	ssyncadd.s32 @p0 $0xFFFFF000;
	s3 =	simm.s32 @p0 $0x6  }
0xd3: {  	[hbm4b:s0+s1] =	stream.linear.scatter @p0 [tilespmem:s6], [sflag:$0xA], $0x1000, $0x38;
	[tilespmem:$0x14280] =	vst v63  }
0xd4: {  	_ =	swait.ge @p0 [sflag:s3], $0x4000  }
0xd5: {  	[sflag:s3] =	ssyncset.done @p0 $0x0  }
0xd6: {  	s0 =	simm.s32 @p0 $0x7;
	[sflag:s3] =	ssyncadd.s32 @p0 $0xFFFFC000  }
0xd7: {  	_ =	swait.ge @p0 [sflag:s0], $0x4000  }
0xd8: {  	[sflag:s0] =	ssyncset.done @p0 $0x0  }
0xd9: {  	[sflag:s0] =	ssyncadd.s32 @p0 $0xFFFFC000;
	s0 =	simm.s32 @p0 $0x8  }
0xda: {  	_ =	swait.ge @p0 [sflag:s0], $0x4000  }
0xdb: {  	[sflag:s0] =	ssyncset.done @p0 $0x0  }
0xdc: {  	[sflag:s0] =	ssyncadd.s32 @p0 $0xFFFFC000;
	s0 =	simm.s32 @p0 $0x9  }
0xdd: {  	_ =	swait.ge @p0 [sflag:s0], $0x4000  }
0xde: {  	[sflag:s0] =	ssyncset.done @p0 $0x0  }
0xdf: {  	[sflag:s0] =	ssyncadd.s32 @p0 $0xFFFFC000;
	s0 =	simm.s32 @p0 $0xA  }
0xe0: {  	_ =	swait.ge @p0 [sflag:s0], $0x1000  }
0xe1: {  	s5 =	simm.s32 @!p0 $0x8280;
	[sflag:s0] =	ssyncset.done @p0 $0x0  }
0xe2: {  	s3 =	simm.s32 @!p0 $0x280;
	[sflag:s0] =	ssyncadd.s32 @p0 $0xFFFFF000;
	s0 =	simm.s32 @!p0 $0x0  }
0xe3: {  	[hbm4b:s8+s0] =	stream.linear.scatter @!p0 [tilespmem:s3], [sflag:$0x6], $0x4000, $0x38;
	[tilespmem:$0x14280] =	vst v63  }
0xe4: {  	s4 =	simm.s32 @!p0 $0x100;
	s1 =	simm.s32 @!p0 $0x2;
	s3 =	simm.s32 @!p0 $0x80  }
0xe5: {  	[tilespmem:s5], [sflag:$0x3] =	stream.indirect.gather @!p0 [hbm4b:s2+s3], $0x80, s4, s3, $0xb8;
	[tilespmem:$0x14280] =	vst v63  }
0xe6: {  	_ =	swait.ge @!p0 [sflag:s1], $0x4000  }
0xe7: {  	s6 =	simm.s32 @!p0 $0xC280;
	[sflag:s1] =	ssyncset.done @!p0 $0x0  }
0xe8: {  	s3 =	rddreg [dreg:$0x5];
	[sflag:s1] =	ssyncadd.s32 @!p0 $0xFFFFC000;
	s1 =	simm.s32 @!p0 $0x4280  }
0xe9: {  	[hbm4b:s3+s0] =	stream.linear.scatter @!p0 [tilespmem:s1], [sflag:$0x7], $0x4000, $0x38;
	[tilespmem:$0x14280] =	vst v63  }
0xea: {  	s4 =	simm.s32 @!p0 $0x3;
	s1 =	simm.s32 @!p0 $0x60;
	s3 =	simm.s32 @!p0 $0x180  }
0xeb: {  	[tilespmem:s6], [sflag:$0x4] =	stream.indirect.gather @!p0 [hbm4b:s2+s1], $0x80, s3, s1, $0xb8;
	[tilespmem:$0x14280] =	vst v63  }
0xec: {  	_ =	swait.ge @!p0 [sflag:s4], $0x4000  }
0xed: {  	[sflag:s4] =	ssyncset.done @!p0 $0x0  }
0xee: {  	s2 =	simm.s32 @!p0 $0x4;
	s1 =	rddreg [dreg:$0x6];
	[sflag:s4] =	ssyncadd.s32 @!p0 $0xFFFFC000  }
0xef: {  	[hbm4b:s1+s0] =	stream.linear.scatter @!p0 [tilespmem:s5], [sflag:$0x8], $0x4000, $0x38;
	[tilespmem:$0x14280] =	vst v63  }
0xf0: {  	_ =	swait.ge @!p0 [sflag:s2], $0x3000  }
0xf1: {  	[sflag:s2] =	ssyncset.done @!p0 $0x0  }
0xf2: {  	s1 =	rddreg [dreg:$0x7];
	[sflag:s2] =	ssyncadd.s32 @!p0 $0xFFFFD000;
	s2 =	simm.s32 @!p0 $0x6  }
0xf3: {  	[hbm4b:s1+s0] =	stream.linear.scatter @!p0 [tilespmem:s6], [sflag:$0x9], $0x3000, $0x38;
	[tilespmem:$0x14280] =	vst v63  }
0xf4: {  	_ =	swait.ge @!p0 [sflag:s2], $0x4000  }
0xf5: {  	[sflag:s2] =	ssyncset.done @!p0 $0x0  }
0xf6: {  	s0 =	simm.s32 @!p0 $0x7;
	[sflag:s2] =	ssyncadd.s32 @!p0 $0xFFFFC000  }
0xf7: {  	_ =	swait.ge @!p0 [sflag:s0], $0x4000  }
0xf8: {  	[sflag:s0] =	ssyncset.done @!p0 $0x0  }
0xf9: {  	[sflag:s0] =	ssyncadd.s32 @!p0 $0xFFFFC000;
	s0 =	simm.s32 @!p0 $0x8  }
0xfa: {  	_ =	swait.ge @!p0 [sflag:s0], $0x4000  }
0xfb: {  	[sflag:s0] =	ssyncset.done @!p0 $0x0  }
0xfc: {  	[sflag:s0] =	ssyncadd.s32 @!p0 $0xFFFFC000;
	s0 =	simm.s32 @!p0 $0x9  }
0xfd: {  	_ =	swait.ge @!p0 [sflag:s0], $0x3000  }
0xfe: {  	[sflag:s0] =	ssyncset.done @!p0 $0x0  }
0xff: {  	[sflag:s0] =	ssyncadd.s32 @!p0 $0xFFFFD000  }
0x100: {  	_ =	sfence.sel $0x180000  }
0x101: {  	[bflag:$0x0] =	sbarrier.arrive $0xFFFF  }
0x102: {  	p0 =	sne.s32 s9, $0x0;
	_ =	strace $0x90000047  }
0x103: {  	s0 =	sadd.s32 @!p0 $0x100000, s10;
	[bflag:$0x2] =	sbarrier.arrive $0xFFFF  }
0x104: {  	[sflag:s0] =	ssyncadd.tile.s32 @!p0 $0x1;
	_ =	shalt  }
.LBB2_1:
.Ltmp3:
0x105: {  	(pc) =	sbr.rel .LBB2_6-.Ltmp3, $2  }
0x106: {  	_ =	sdelay $0x2  }
0x107: {  	_ = 	snop  }
.LBB2_3:
.Ltmp4:
0x108: {  	(pc) =	sbr.rel .LBB2_6-.Ltmp4, $3  }
0x109: {  	_ =	sdelay $0x1  }
0x10a: {  	s9 =	stileid.u32;
	s10 =	rddreg [dreg:$0x3]  }
0x10b: {  	s8 =	rddreg [dreg:$0xe];
	s11 =	simm.s32 $0x0;
	s12 =	simm.s32 $0x80  }
.Lfunc_end2:
_tile_overlayer_lowered:
.L_overlay_start_2:
0x10c: {  	(tag) =	ssettag $0x2  }
0x10d: {  	s0 =	rddreg [dreg:$0x0];
	s2 =	stileid.u32  }
0x10e: {  	s1 =	rddreg [dreg:$0x1];
	p0 =	sne.s32 s2, $0x0  }
0x10f: {  	s3 =	rddreg [dreg:$0x2];
	[bflag:$0x3] =	sbarrier.arrive $0xFFFF;
	s2 =	simm.s32 @!p0 $0x1C0B  }
0x110: {  	[timem:s3], [sflag:s2] =	dma.local @!p0 [hbm:s0], s1  }
0x111: {  	s0 =	simm.s32 @!p0 $0xB  }
0x112: {  	_ =	swait.ge @!p0 [sflag:s0], s1  }
0x113: {  	s1 =	ssub.s32 @!p0 $0x0, s1;
	[sflag:s0] =	ssyncset.done @!p0 $0x0  }
0x114: {  	[sflag:s0] =	ssyncadd.s32 @!p0 s1  }
0x115: {  	[bflag:$0x3] =	sbarrier.arrive $0xFFFF  }
0x116: {  	_ =	shalt  }

</sc_bundles>
